<compile_context>
chip_gen: v7x
topology: tpu7x:2x2x1
jax: 0.10.2.dev20260603
libtpu: 0.0.44.dev20260713+nightly
codegen_flags: <defaults>
</compile_context>

<pallas_src>
import functools

import jax
import jax.numpy as jnp
from jax import lax
from jax.experimental import pallas as pl
from jax.experimental.pallas import tpu as pltpu
from jax.experimental.pallas import tpu_sc as plsc

VOCAB = 100000
D = 128
B = 4096
L = 50
EPS = 1e-5

NC = 2
NS = 16
NW = NC * NS
ROWS_PER_W = B // NW
CHUNKS = ROWS_PER_W
NBUF = 8
NV = D // 16


def _pool_sc(x, emb_table):

    @functools.partial(
        pl.kernel,
        out_type=jax.ShapeDtypeStruct((B, D), jnp.float32),
        mesh=plsc.VectorSubcoreMesh(core_axis_name="c", subcore_axis_name="s"),
        scratch_types=(
            [pltpu.VMEM((ROWS_PER_W, L), jnp.int32)]
            + [pltpu.VMEM((L, D), jnp.float32) for _ in range(NBUF)]
            + [pltpu.VMEM((ROWS_PER_W, D), jnp.float32)]
            + [pltpu.SemaphoreType.DMA for _ in range(NBUF)]
        ),
    )
    def k(x_hbm, table_hbm, out_hbm, idx_v, *rest):
        bufs = rest[:NBUF]
        pooled_v = rest[NBUF]
        sems = rest[NBUF + 1:]
        wid = lax.axis_index("s") * NC + lax.axis_index("c")
        pltpu.sync_copy(x_hbm.at[pl.ds(wid * ROWS_PER_W, ROWS_PER_W)], idx_v)
        for p in range(NBUF):
            pltpu.make_async_copy(
                table_hbm.at[idx_v.at[p]], bufs[p], sems[p]).start()

        UNROLL = 1

        def reduce_chunk(c, rows_v):
            def blk(t, acc):
                base = t * UNROLL
                for j in range(UNROLL):
                    acc = tuple(
                        acc[k] + rows_v[base + j, pl.ds(k * 16, 16)]
                        for k in range(NV)
                    )
                return acc
            acc0 = tuple(jnp.zeros((16,), jnp.float32) for _ in range(NV))
            accs = lax.fori_loop(0, L // UNROLL, blk, acc0)
            for k in range(NV):
                pooled_v[c, pl.ds(k * 16, 16)] = accs[k]

        def body(i, carry):
            c = NBUF * i
            for p in range(NBUF):
                cp = c + p
                pltpu.make_async_copy(
                    table_hbm.at[idx_v.at[cp]], bufs[p], sems[p]).wait()
                reduce_chunk(cp, bufs[p])
                nxt = cp + NBUF

                @pl.when(nxt < CHUNKS)
                def _(p=p, nxt=nxt):
                    pltpu.make_async_copy(
                        table_hbm.at[idx_v.at[nxt]], bufs[p], sems[p]).start()
            return carry

        lax.fori_loop(0, CHUNKS // NBUF, body, 0)
        pltpu.sync_copy(pooled_v, out_hbm.at[pl.ds(wid * ROWS_PER_W, ROWS_PER_W)])

    return k(x, emb_table)


def _dense_kernel(pooled_ref, w_ref, b_ref, bng_ref, bnb_ref, lng_ref, lnb_ref,
                  out_ref):
    p = pooled_ref[...] * (1.0 / L)
    h = lax.dot_general(
        p, w_ref[...], (((1,), (1,)), ((), ())),
        preferred_element_type=jnp.float32,
        precision=lax.Precision.HIGHEST,
    ) + b_ref[...]
    mu = jnp.mean(h, axis=0, keepdims=True)
    var = jnp.mean((h - mu) * (h - mu), axis=0, keepdims=True)
    h = (h - mu) * lax.rsqrt(var + EPS) * bng_ref[...] + bnb_ref[...]
    m = jnp.mean(h, axis=1, keepdims=True)
    v = jnp.mean((h - m) * (h - m), axis=1, keepdims=True)
    out_ref[...] = (h - m) * lax.rsqrt(v + EPS) * lng_ref[...] + lnb_ref[...]


def _dense_tc(pooled, W, b, bn_gamma, bn_beta, ln_gamma, ln_beta):
    return pl.pallas_call(
        _dense_kernel,
        out_shape=jax.ShapeDtypeStruct((B, D), jnp.float32),
    )(pooled, W, b.reshape(1, D), bn_gamma.reshape(1, D),
      bn_beta.reshape(1, D), ln_gamma.reshape(1, D), ln_beta.reshape(1, D))


@jax.jit
def kernel(x, emb_table, W, b, bn_gamma, bn_beta, ln_gamma, ln_beta):
    pooled = _pool_sc(x.astype(jnp.int32), emb_table)
    return _dense_tc(pooled, W, b, bn_gamma, bn_beta, ln_gamma, ln_beta)

# --- scband reference (transcript-rebuilt; emitter-appended) ---
"""Pipeline reference for scband-neural-embedder-7490422964716 (READ-ONLY COPY).

The authoritative reference and input builder live on the scoring server;
editing this copy changes nothing except your own understanding.
"""

import jax, jax.numpy as jnp
import numpy as np

VOCAB = 100000
D = 128
B = 4096
L = 50
EPS = 1e-5


def setup_inputs(seed: int = 0) -> dict:
    key = jax.random.key(seed)
    k1, k2, k3, k4 = jax.random.split(key, 4)
    x = jax.random.randint(k1, (B, L), 0, VOCAB)
    emb_table = jax.random.normal(k2, (VOCAB, D), dtype=jnp.float32)
    W = jax.random.normal(k3, (D, D), dtype=jnp.float32) * 0.05
    b = jax.random.normal(k4, (D,), dtype=jnp.float32) * 0.01
    bn_gamma = jnp.ones((D,), dtype=jnp.float32)
    bn_beta = jnp.zeros((D,), dtype=jnp.float32)
    ln_gamma = jnp.ones((D,), dtype=jnp.float32)
    ln_beta = jnp.zeros((D,), dtype=jnp.float32)
    return {
        "x": x,
        "emb_table": emb_table,
        "W": W,
        "b": b,
        "bn_gamma": bn_gamma,
        "bn_beta": bn_beta,
        "ln_gamma": ln_gamma,
        "ln_beta": ln_beta,
    }


def reference(x, emb_table, W, b, bn_gamma, bn_beta, ln_gamma, ln_beta):
    # nn.Embedding: gather rows
    e = jnp.take(emb_table, x, axis=0)  # [B, L, D]
    # AdaptiveAvgPool1d(1) on [B, D, L] then squeeze == mean over sequence dim
    pooled = jnp.mean(e, axis=1)  # [B, D]
    # nn.Linear
    h = pooled @ W.T + b  # [B, D]
    # nn.BatchNorm1d (training mode: batch statistics, biased variance)
    mu = jnp.mean(h, axis=0)
    var = jnp.var(h, axis=0)
    h = (h - mu) / jnp.sqrt(var + EPS) * bn_gamma + bn_beta
    # nn.LayerNorm over last dim
    m = jnp.mean(h, axis=-1, keepdims=True)
    v = jnp.var(h, axis=-1, keepdims=True)
    out = (h - m) / jnp.sqrt(v + EPS) * ln_gamma + ln_beta
    return out

if __name__ == "__main__":
    import jax
    _d = setup_inputs()
    print(jax.jit(kernel)(*tuple(_d.values())))

</pallas_src>

<mosaic_0001>
#map = affine_map<(d0, d1) -> (0, 0)>
module attributes {stable_mosaic.version = 14 : i64} {
  func.func @k(%arg0: i32, %arg1: i32, %arg2: memref<4096x50xi32, #tpu.memory_space<hbm>>, %arg3: memref<100000x128xf32, #tpu.memory_space<hbm>>, %arg4: memref<4096x128xf32, #tpu.memory_space<hbm>>, %arg5: memref<128x50xi32, #tpu.memory_space<vmem>>, %arg6: memref<50x128xf32, #tpu.memory_space<vmem>>, %arg7: memref<50x128xf32, #tpu.memory_space<vmem>>, %arg8: memref<50x128xf32, #tpu.memory_space<vmem>>, %arg9: memref<50x128xf32, #tpu.memory_space<vmem>>, %arg10: memref<50x128xf32, #tpu.memory_space<vmem>>, %arg11: memref<50x128xf32, #tpu.memory_space<vmem>>, %arg12: memref<50x128xf32, #tpu.memory_space<vmem>>, %arg13: memref<50x128xf32, #tpu.memory_space<vmem>>, %arg14: memref<128x128xf32, #tpu.memory_space<vmem>>, %arg15: memref<!tpu.dma_semaphore, #tpu.memory_space<semaphore_mem>>, %arg16: memref<!tpu.dma_semaphore, #tpu.memory_space<semaphore_mem>>, %arg17: memref<!tpu.dma_semaphore, #tpu.memory_space<semaphore_mem>>, %arg18: memref<!tpu.dma_semaphore, #tpu.memory_space<semaphore_mem>>, %arg19: memref<!tpu.dma_semaphore, #tpu.memory_space<semaphore_mem>>, %arg20: memref<!tpu.dma_semaphore, #tpu.memory_space<semaphore_mem>>, %arg21: memref<!tpu.dma_semaphore, #tpu.memory_space<semaphore_mem>>, %arg22: memref<!tpu.dma_semaphore, #tpu.memory_space<semaphore_mem>>) attributes {dimension_semantics = [#tpu.dimension_semantics<core_parallel>, #tpu.dimension_semantics<subcore_parallel>], iteration_bounds = array<i64: 2, 16>, scalar_prefetch = 0 : i64, scratch_operands = 18 : i64, tpu.core_type = #tpu.core_type<sc_vector_subcore>, window_params = [{transform_indices = #map}, {transform_indices = #map}, {transform_indices = #map}]} {
    %mul3A = arith.constant 2 : i32
    %mul3A_0 = arith.muli %arg1, %mul3A : i32
    %add3A = arith.addi %mul3A_0, %arg0 : i32
    %mul3A_1 = arith.constant 128 : i32
    %mul3A_2 = arith.muli %add3A, %mul3A_1 : i32
    "tpu.region"() ({
      %run_scoped3A = tpu.sem_alloc : memref<!tpu.dma_semaphore, #tpu.memory_space<semaphore_mem>>
      %dma_start3A_65 = arith.constant 0 : i32
      %dma_start3A_66 = tpu.memref_slice %arg2[%mul3A_2, %dma_start3A_65] : memref<4096x50xi32, #tpu.memory_space<hbm>> -> memref<128x50xi32, #tpu.memory_space<hbm>>
      %dma_start3A_67 = arith.constant 0 : i32
      %dma_start3A_68 = tpu.memref_slice %arg2[%mul3A_2, %dma_start3A_67] : memref<4096x50xi32, #tpu.memory_space<hbm>> -> memref<128x50xi32, #tpu.memory_space<hbm>>
      tpu.enqueue_dma source(%dma_start3A_68 : memref<128x50xi32, #tpu.memory_space<hbm>>) target(%arg5 : memref<128x50xi32, #tpu.memory_space<vmem>>) target_semaphore(%run_scoped3A : memref<!tpu.dma_semaphore, #tpu.memory_space<semaphore_mem>>)
      %dma_wait3A = arith.constant 0 : i32
      %dma_wait3A_69 = tpu.memref_slice %arg2[%mul3A_2, %dma_wait3A] : memref<4096x50xi32, #tpu.memory_space<hbm>> -> memref<128x50xi32, #tpu.memory_space<hbm>>
      %dma_wait3A_70 = arith.constant 0 : i32
      %dma_wait3A_71 = tpu.memref_slice %arg2[%mul3A_2, %dma_wait3A_70] : memref<4096x50xi32, #tpu.memory_space<hbm>> -> memref<128x50xi32, #tpu.memory_space<hbm>>
      tpu.wait_dma2 semaphore(%run_scoped3A : memref<!tpu.dma_semaphore, #tpu.memory_space<semaphore_mem>>) src(%dma_wait3A_71 : memref<128x50xi32, #tpu.memory_space<hbm>>) dst(%arg5 : memref<128x50xi32, #tpu.memory_space<vmem>>)
      tpu.yield
    }) : () -> ()
    %dma_start3A = arith.constant 0 : i32
    %dma_start3A_3 = arith.constant 0 : i32
    %dma_start3A_4 = tpu.memref_slice %arg5[%dma_start3A, %dma_start3A_3] : memref<128x50xi32, #tpu.memory_space<vmem>> -> memref<1x50xi32, #tpu.memory_space<vmem>>
    %dma_start3A_5 = tpu.memref_squeeze %dma_start3A_4 : memref<1x50xi32, #tpu.memory_space<vmem>> -> memref<50xi32, #tpu.memory_space<vmem>>
    %dma_start3A_6 = arith.constant 0 : i32
    %dma_start3A_7 = arith.constant 0 : i32
    %dma_start3A_8 = tpu.memref_slice %arg3[%dma_start3A_6, %dma_start3A_7] : memref<100000x128xf32, #tpu.memory_space<hbm>> -> memref<100000x128xf32, #tpu.memory_space<hbm>>
    tpu.enqueue_indirect_dma source(%dma_start3A_8 : memref<100000x128xf32, #tpu.memory_space<hbm>>) target(%arg6 : memref<50x128xf32, #tpu.memory_space<vmem>>) offsets(%dma_start3A_5 : memref<50xi32, #tpu.memory_space<vmem>>) semaphore(%arg15 : memref<!tpu.dma_semaphore, #tpu.memory_space<semaphore_mem>>)
    %dma_start3A_9 = arith.constant 1 : i32
    %dma_start3A_10 = arith.constant 0 : i32
    %dma_start3A_11 = tpu.memref_slice %arg5[%dma_start3A_9, %dma_start3A_10] : memref<128x50xi32, #tpu.memory_space<vmem>> -> memref<1x50xi32, #tpu.memory_space<vmem>>
    %dma_start3A_12 = tpu.memref_squeeze %dma_start3A_11 : memref<1x50xi32, #tpu.memory_space<vmem>> -> memref<50xi32, #tpu.memory_space<vmem>>
    %dma_start3A_13 = arith.constant 0 : i32
    %dma_start3A_14 = arith.constant 0 : i32
    %dma_start3A_15 = tpu.memref_slice %arg3[%dma_start3A_13, %dma_start3A_14] : memref<100000x128xf32, #tpu.memory_space<hbm>> -> memref<100000x128xf32, #tpu.memory_space<hbm>>
    tpu.enqueue_indirect_dma source(%dma_start3A_15 : memref<100000x128xf32, #tpu.memory_space<hbm>>) target(%arg7 : memref<50x128xf32, #tpu.memory_space<vmem>>) offsets(%dma_start3A_12 : memref<50xi32, #tpu.memory_space<vmem>>) semaphore(%arg16 : memref<!tpu.dma_semaphore, #tpu.memory_space<semaphore_mem>>)
    %dma_start3A_16 = arith.constant 2 : i32
    %dma_start3A_17 = arith.constant 0 : i32
    %dma_start3A_18 = tpu.memref_slice %arg5[%dma_start3A_16, %dma_start3A_17] : memref<128x50xi32, #tpu.memory_space<vmem>> -> memref<1x50xi32, #tpu.memory_space<vmem>>
    %dma_start3A_19 = tpu.memref_squeeze %dma_start3A_18 : memref<1x50xi32, #tpu.memory_space<vmem>> -> memref<50xi32, #tpu.memory_space<vmem>>
    %dma_start3A_20 = arith.constant 0 : i32
    %dma_start3A_21 = arith.constant 0 : i32
    %dma_start3A_22 = tpu.memref_slice %arg3[%dma_start3A_20, %dma_start3A_21] : memref<100000x128xf32, #tpu.memory_space<hbm>> -> memref<100000x128xf32, #tpu.memory_space<hbm>>
    tpu.enqueue_indirect_dma source(%dma_start3A_22 : memref<100000x128xf32, #tpu.memory_space<hbm>>) target(%arg8 : memref<50x128xf32, #tpu.memory_space<vmem>>) offsets(%dma_start3A_19 : memref<50xi32, #tpu.memory_space<vmem>>) semaphore(%arg17 : memref<!tpu.dma_semaphore, #tpu.memory_space<semaphore_mem>>)
    %dma_start3A_23 = arith.constant 3 : i32
    %dma_start3A_24 = arith.constant 0 : i32
    %dma_start3A_25 = tpu.memref_slice %arg5[%dma_start3A_23, %dma_start3A_24] : memref<128x50xi32, #tpu.memory_space<vmem>> -> memref<1x50xi32, #tpu.memory_space<vmem>>
    %dma_start3A_26 = tpu.memref_squeeze %dma_start3A_25 : memref<1x50xi32, #tpu.memory_space<vmem>> -> memref<50xi32, #tpu.memory_space<vmem>>
    %dma_start3A_27 = arith.constant 0 : i32
    %dma_start3A_28 = arith.constant 0 : i32
    %dma_start3A_29 = tpu.memref_slice %arg3[%dma_start3A_27, %dma_start3A_28] : memref<100000x128xf32, #tpu.memory_space<hbm>> -> memref<100000x128xf32, #tpu.memory_space<hbm>>
    tpu.enqueue_indirect_dma source(%dma_start3A_29 : memref<100000x128xf32, #tpu.memory_space<hbm>>) target(%arg9 : memref<50x128xf32, #tpu.memory_space<vmem>>) offsets(%dma_start3A_26 : memref<50xi32, #tpu.memory_space<vmem>>) semaphore(%arg18 : memref<!tpu.dma_semaphore, #tpu.memory_space<semaphore_mem>>)
    %dma_start3A_30 = arith.constant 4 : i32
    %dma_start3A_31 = arith.constant 0 : i32
    %dma_start3A_32 = tpu.memref_slice %arg5[%dma_start3A_30, %dma_start3A_31] : memref<128x50xi32, #tpu.memory_space<vmem>> -> memref<1x50xi32, #tpu.memory_space<vmem>>
    %dma_start3A_33 = tpu.memref_squeeze %dma_start3A_32 : memref<1x50xi32, #tpu.memory_space<vmem>> -> memref<50xi32, #tpu.memory_space<vmem>>
    %dma_start3A_34 = arith.constant 0 : i32
    %dma_start3A_35 = arith.constant 0 : i32
    %dma_start3A_36 = tpu.memref_slice %arg3[%dma_start3A_34, %dma_start3A_35] : memref<100000x128xf32, #tpu.memory_space<hbm>> -> memref<100000x128xf32, #tpu.memory_space<hbm>>
    tpu.enqueue_indirect_dma source(%dma_start3A_36 : memref<100000x128xf32, #tpu.memory_space<hbm>>) target(%arg10 : memref<50x128xf32, #tpu.memory_space<vmem>>) offsets(%dma_start3A_33 : memref<50xi32, #tpu.memory_space<vmem>>) semaphore(%arg19 : memref<!tpu.dma_semaphore, #tpu.memory_space<semaphore_mem>>)
    %dma_start3A_37 = arith.constant 5 : i32
    %dma_start3A_38 = arith.constant 0 : i32
    %dma_start3A_39 = tpu.memref_slice %arg5[%dma_start3A_37, %dma_start3A_38] : memref<128x50xi32, #tpu.memory_space<vmem>> -> memref<1x50xi32, #tpu.memory_space<vmem>>
    %dma_start3A_40 = tpu.memref_squeeze %dma_start3A_39 : memref<1x50xi32, #tpu.memory_space<vmem>> -> memref<50xi32, #tpu.memory_space<vmem>>
    %dma_start3A_41 = arith.constant 0 : i32
    %dma_start3A_42 = arith.constant 0 : i32
    %dma_start3A_43 = tpu.memref_slice %arg3[%dma_start3A_41, %dma_start3A_42] : memref<100000x128xf32, #tpu.memory_space<hbm>> -> memref<100000x128xf32, #tpu.memory_space<hbm>>
    tpu.enqueue_indirect_dma source(%dma_start3A_43 : memref<100000x128xf32, #tpu.memory_space<hbm>>) target(%arg11 : memref<50x128xf32, #tpu.memory_space<vmem>>) offsets(%dma_start3A_40 : memref<50xi32, #tpu.memory_space<vmem>>) semaphore(%arg20 : memref<!tpu.dma_semaphore, #tpu.memory_space<semaphore_mem>>)
    %dma_start3A_44 = arith.constant 6 : i32
    %dma_start3A_45 = arith.constant 0 : i32
    %dma_start3A_46 = tpu.memref_slice %arg5[%dma_start3A_44, %dma_start3A_45] : memref<128x50xi32, #tpu.memory_space<vmem>> -> memref<1x50xi32, #tpu.memory_space<vmem>>
    %dma_start3A_47 = tpu.memref_squeeze %dma_start3A_46 : memref<1x50xi32, #tpu.memory_space<vmem>> -> memref<50xi32, #tpu.memory_space<vmem>>
    %dma_start3A_48 = arith.constant 0 : i32
    %dma_start3A_49 = arith.constant 0 : i32
    %dma_start3A_50 = tpu.memref_slice %arg3[%dma_start3A_48, %dma_start3A_49] : memref<100000x128xf32, #tpu.memory_space<hbm>> -> memref<100000x128xf32, #tpu.memory_space<hbm>>
    tpu.enqueue_indirect_dma source(%dma_start3A_50 : memref<100000x128xf32, #tpu.memory_space<hbm>>) target(%arg12 : memref<50x128xf32, #tpu.memory_space<vmem>>) offsets(%dma_start3A_47 : memref<50xi32, #tpu.memory_space<vmem>>) semaphore(%arg21 : memref<!tpu.dma_semaphore, #tpu.memory_space<semaphore_mem>>)
    %dma_start3A_51 = arith.constant 7 : i32
    %dma_start3A_52 = arith.constant 0 : i32
    %dma_start3A_53 = tpu.memref_slice %arg5[%dma_start3A_51, %dma_start3A_52] : memref<128x50xi32, #tpu.memory_space<vmem>> -> memref<1x50xi32, #tpu.memory_space<vmem>>
    %dma_start3A_54 = tpu.memref_squeeze %dma_start3A_53 : memref<1x50xi32, #tpu.memory_space<vmem>> -> memref<50xi32, #tpu.memory_space<vmem>>
    %dma_start3A_55 = arith.constant 0 : i32
    %dma_start3A_56 = arith.constant 0 : i32
    %dma_start3A_57 = tpu.memref_slice %arg3[%dma_start3A_55, %dma_start3A_56] : memref<100000x128xf32, #tpu.memory_space<hbm>> -> memref<100000x128xf32, #tpu.memory_space<hbm>>
    tpu.enqueue_indirect_dma source(%dma_start3A_57 : memref<100000x128xf32, #tpu.memory_space<hbm>>) target(%arg13 : memref<50x128xf32, #tpu.memory_space<vmem>>) offsets(%dma_start3A_54 : memref<50xi32, #tpu.memory_space<vmem>>) semaphore(%arg22 : memref<!tpu.dma_semaphore, #tpu.memory_space<semaphore_mem>>)
    %scan3A = arith.constant 0 : i32
    %scan3A_58 = arith.constant 0 : i32
    %scan3A_59 = arith.constant 16 : i32
    %scan3A_60 = arith.addi %scan3A_58, %scan3A_59 : i32
    %scan3A_61 = arith.constant 1 : i32
    scf.for %scan3A_65 = %scan3A_58 to %scan3A_60 step %scan3A_61  : i32 {
      %mul3A_66 = arith.constant 8 : i32
      %mul3A_67 = arith.muli %mul3A_66, %scan3A_65 : i32
      %add3A_68 = arith.constant 0 : i32
      %add3A_69 = arith.addi %mul3A_67, %add3A_68 : i32
      %dma_wait3A = arith.constant 0 : i32
      %dma_wait3A_70 = tpu.memref_slice %arg5[%add3A_69, %dma_wait3A] : memref<128x50xi32, #tpu.memory_space<vmem>> -> memref<1x50xi32, #tpu.memory_space<vmem>>
      %dma_wait3A_71 = tpu.memref_squeeze %dma_wait3A_70 : memref<1x50xi32, #tpu.memory_space<vmem>> -> memref<50xi32, #tpu.memory_space<vmem>>
      %dma_wait3A_72 = arith.constant 0 : i32
      %dma_wait3A_73 = arith.constant 0 : i32
      %dma_wait3A_74 = tpu.memref_slice %arg3[%dma_wait3A_72, %dma_wait3A_73] : memref<100000x128xf32, #tpu.memory_space<hbm>> -> memref<100000x128xf32, #tpu.memory_space<hbm>>
      tpu.wait_indirect_dma semaphore(%arg15 : memref<!tpu.dma_semaphore, #tpu.memory_space<semaphore_mem>>) src(%dma_wait3A_74 : memref<100000x128xf32, #tpu.memory_space<hbm>>) dst(%arg6 : memref<50x128xf32, #tpu.memory_space<vmem>>)
      %broadcast_in_dim3A = arith.constant 0.000000e+00 : f32
      %broadcast_in_dim3A_75 = vector.broadcast %broadcast_in_dim3A : f32 to vector<16xf32>
      %broadcast_in_dim3A_76 = arith.constant 0.000000e+00 : f32
      %broadcast_in_dim3A_77 = vector.broadcast %broadcast_in_dim3A_76 : f32 to vector<16xf32>
      %broadcast_in_dim3A_78 = arith.constant 0.000000e+00 : f32
      %broadcast_in_dim3A_79 = vector.broadcast %broadcast_in_dim3A_78 : f32 to vector<16xf32>
      %broadcast_in_dim3A_80 = arith.constant 0.000000e+00 : f32
      %broadcast_in_dim3A_81 = vector.broadcast %broadcast_in_dim3A_80 : f32 to vector<16xf32>
      %broadcast_in_dim3A_82 = arith.constant 0.000000e+00 : f32
      %broadcast_in_dim3A_83 = vector.broadcast %broadcast_in_dim3A_82 : f32 to vector<16xf32>
      %broadcast_in_dim3A_84 = arith.constant 0.000000e+00 : f32
      %broadcast_in_dim3A_85 = vector.broadcast %broadcast_in_dim3A_84 : f32 to vector<16xf32>
      %broadcast_in_dim3A_86 = arith.constant 0.000000e+00 : f32
      %broadcast_in_dim3A_87 = vector.broadcast %broadcast_in_dim3A_86 : f32 to vector<16xf32>
      %broadcast_in_dim3A_88 = arith.constant 0.000000e+00 : f32
      %broadcast_in_dim3A_89 = vector.broadcast %broadcast_in_dim3A_88 : f32 to vector<16xf32>
      %scan3A_90 = arith.constant 0 : i32
      %scan3A_91 = arith.constant 50 : i32
      %scan3A_92 = arith.addi %scan3A_90, %scan3A_91 : i32
      %scan3A_93 = arith.constant 1 : i32
      %scan3A_94:8 = scf.for %scan3A_678 = %scan3A_90 to %scan3A_92 step %scan3A_93 iter_args(%scan3A_679 = %broadcast_in_dim3A_75, %scan3A_680 = %broadcast_in_dim3A_77, %scan3A_681 = %broadcast_in_dim3A_79, %scan3A_682 = %broadcast_in_dim3A_81, %scan3A_683 = %broadcast_in_dim3A_83, %scan3A_684 = %broadcast_in_dim3A_85, %scan3A_685 = %broadcast_in_dim3A_87, %scan3A_686 = %broadcast_in_dim3A_89) -> (vector<16xf32>, vector<16xf32>, vector<16xf32>, vector<16xf32>, vector<16xf32>, vector<16xf32>, vector<16xf32>, vector<16xf32>)  : i32 {
        %mul3A_687 = arith.constant 1 : i32
        %mul3A_688 = arith.muli %scan3A_678, %mul3A_687 : i32
        %add3A_689 = arith.constant 0 : i32
        %add3A_690 = arith.addi %mul3A_688, %add3A_689 : i32
        %get3A = arith.index_cast %add3A_690 : i32 to index
        %get3A_691 = arith.constant 0 : index
        %get3A_692 = tpu.vector_load %arg6[%get3A, %get3A_691] {strides = array<i32>} : memref<50x128xf32, #tpu.memory_space<vmem>>, vector<1x16xf32>,
        %get3A_693 = vector.shape_cast %get3A_692 : vector<1x16xf32> to vector<16xf32>
        %add3A_694 = arith.addf %scan3A_679, %get3A_693 : vector<16xf32>
        %add3A_695 = arith.constant 0 : i32
        %add3A_696 = arith.addi %mul3A_688, %add3A_695 : i32
        %get3A_697 = arith.index_cast %add3A_696 : i32 to index
        %get3A_698 = arith.constant 16 : index
        %get3A_699 = tpu.vector_load %arg6[%get3A_697, %get3A_698] {strides = array<i32>} : memref<50x128xf32, #tpu.memory_space<vmem>>, vector<1x16xf32>,
        %get3A_700 = vector.shape_cast %get3A_699 : vector<1x16xf32> to vector<16xf32>
        %add3A_701 = arith.addf %scan3A_680, %get3A_700 : vector<16xf32>
        %add3A_702 = arith.constant 0 : i32
        %add3A_703 = arith.addi %mul3A_688, %add3A_702 : i32
        %get3A_704 = arith.index_cast %add3A_703 : i32 to index
        %get3A_705 = arith.constant 32 : index
        %get3A_706 = tpu.vector_load %arg6[%get3A_704, %get3A_705] {strides = array<i32>} : memref<50x128xf32, #tpu.memory_space<vmem>>, vector<1x16xf32>,
        %get3A_707 = vector.shape_cast %get3A_706 : vector<1x16xf32> to vector<16xf32>
        %add3A_708 = arith.addf %scan3A_681, %get3A_707 : vector<16xf32>
        %add3A_709 = arith.constant 0 : i32
        %add3A_710 = arith.addi %mul3A_688, %add3A_709 : i32
        %get3A_711 = arith.index_cast %add3A_710 : i32 to index
        %get3A_712 = arith.constant 48 : index
        %get3A_713 = tpu.vector_load %arg6[%get3A_711, %get3A_712] {strides = array<i32>} : memref<50x128xf32, #tpu.memory_space<vmem>>, vector<1x16xf32>,
        %get3A_714 = vector.shape_cast %get3A_713 : vector<1x16xf32> to vector<16xf32>
        %add3A_715 = arith.addf %scan3A_682, %get3A_714 : vector<16xf32>
        %add3A_716 = arith.constant 0 : i32
        %add3A_717 = arith.addi %mul3A_688, %add3A_716 : i32
        %get3A_718 = arith.index_cast %add3A_717 : i32 to index
        %get3A_719 = arith.constant 64 : index
        %get3A_720 = tpu.vector_load %arg6[%get3A_718, %get3A_719] {strides = array<i32>} : memref<50x128xf32, #tpu.memory_space<vmem>>, vector<1x16xf32>,
        %get3A_721 = vector.shape_cast %get3A_720 : vector<1x16xf32> to vector<16xf32>
        %add3A_722 = arith.addf %scan3A_683, %get3A_721 : vector<16xf32>
        %add3A_723 = arith.constant 0 : i32
        %add3A_724 = arith.addi %mul3A_688, %add3A_723 : i32
        %get3A_725 = arith.index_cast %add3A_724 : i32 to index
        %get3A_726 = arith.constant 80 : index
        %get3A_727 = tpu.vector_load %arg6[%get3A_725, %get3A_726] {strides = array<i32>} : memref<50x128xf32, #tpu.memory_space<vmem>>, vector<1x16xf32>,
        %get3A_728 = vector.shape_cast %get3A_727 : vector<1x16xf32> to vector<16xf32>
        %add3A_729 = arith.addf %scan3A_684, %get3A_728 : vector<16xf32>
        %add3A_730 = arith.constant 0 : i32
        %add3A_731 = arith.addi %mul3A_688, %add3A_730 : i32
        %get3A_732 = arith.index_cast %add3A_731 : i32 to index
        %get3A_733 = arith.constant 96 : index
        %get3A_734 = tpu.vector_load %arg6[%get3A_732, %get3A_733] {strides = array<i32>} : memref<50x128xf32, #tpu.memory_space<vmem>>, vector<1x16xf32>,
        %get3A_735 = vector.shape_cast %get3A_734 : vector<1x16xf32> to vector<16xf32>
        %add3A_736 = arith.addf %scan3A_685, %get3A_735 : vector<16xf32>
        %add3A_737 = arith.constant 0 : i32
        %add3A_738 = arith.addi %mul3A_688, %add3A_737 : i32
        %get3A_739 = arith.index_cast %add3A_738 : i32 to index
        %get3A_740 = arith.constant 112 : index
        %get3A_741 = tpu.vector_load %arg6[%get3A_739, %get3A_740] {strides = array<i32>} : memref<50x128xf32, #tpu.memory_space<vmem>>, vector<1x16xf32>,
        %get3A_742 = vector.shape_cast %get3A_741 : vector<1x16xf32> to vector<16xf32>
        %add3A_743 = arith.addf %scan3A_686, %get3A_742 : vector<16xf32>
        scf.yield %add3A_694, %add3A_701, %add3A_708, %add3A_715, %add3A_722, %add3A_729, %add3A_736, %add3A_743 : vector<16xf32>, vector<16xf32>, vector<16xf32>, vector<16xf32>, vector<16xf32>, vector<16xf32>, vector<16xf32>, vector<16xf32>
      }
      %scan3A_95 = arith.constant 50 : i32
      %swap3A = arith.index_cast %add3A_69 : i32 to index
      %swap3A_96 = arith.constant 0 : index
      %swap3A_97 = tpu.vector_load %arg14[%swap3A, %swap3A_96] {strides = array<i32>} : memref<128x128xf32, #tpu.memory_space<vmem>>, vector<1x16xf32>,
      %swap3A_98 = vector.shape_cast %swap3A_97 : vector<1x16xf32> to vector<16xf32>
      %swap3A_99 = vector.shape_cast %scan3A_94#0 : vector<16xf32> to vector<1x16xf32>
      tpu.vector_store %arg14[%swap3A, %swap3A_96], %swap3A_99 {strides = array<i32>} : memref<128x128xf32, #tpu.memory_space<vmem>>, vector<1x16xf32>,
      %swap3A_100 = arith.index_cast %add3A_69 : i32 to index
      %swap3A_101 = arith.constant 16 : index
      %swap3A_102 = tpu.vector_load %arg14[%swap3A_100, %swap3A_101] {strides = array<i32>} : memref<128x128xf32, #tpu.memory_space<vmem>>, vector<1x16xf32>,
      %swap3A_103 = vector.shape_cast %swap3A_102 : vector<1x16xf32> to vector<16xf32>
      %swap3A_104 = vector.shape_cast %scan3A_94#1 : vector<16xf32> to vector<1x16xf32>
      tpu.vector_store %arg14[%swap3A_100, %swap3A_101], %swap3A_104 {strides = array<i32>} : memref<128x128xf32, #tpu.memory_space<vmem>>, vector<1x16xf32>,
      %swap3A_105 = arith.index_cast %add3A_69 : i32 to index
      %swap3A_106 = arith.constant 32 : index
      %swap3A_107 = tpu.vector_load %arg14[%swap3A_105, %swap3A_106] {strides = array<i32>} : memref<128x128xf32, #tpu.memory_space<vmem>>, vector<1x16xf32>,
      %swap3A_108 = vector.shape_cast %swap3A_107 : vector<1x16xf32> to vector<16xf32>
      %swap3A_109 = vector.shape_cast %scan3A_94#2 : vector<16xf32> to vector<1x16xf32>
      tpu.vector_store %arg14[%swap3A_105, %swap3A_106], %swap3A_109 {strides = array<i32>} : memref<128x128xf32, #tpu.memory_space<vmem>>, vector<1x16xf32>,
      %swap3A_110 = arith.index_cast %add3A_69 : i32 to index
      %swap3A_111 = arith.constant 48 : index
      %swap3A_112 = tpu.vector_load %arg14[%swap3A_110, %swap3A_111] {strides = array<i32>} : memref<128x128xf32, #tpu.memory_space<vmem>>, vector<1x16xf32>,
      %swap3A_113 = vector.shape_cast %swap3A_112 : vector<1x16xf32> to vector<16xf32>
      %swap3A_114 = vector.shape_cast %scan3A_94#3 : vector<16xf32> to vector<1x16xf32>
      tpu.vector_store %arg14[%swap3A_110, %swap3A_111], %swap3A_114 {strides = array<i32>} : memref<128x128xf32, #tpu.memory_space<vmem>>, vector<1x16xf32>,
      %swap3A_115 = arith.index_cast %add3A_69 : i32 to index
      %swap3A_116 = arith.constant 64 : index
      %swap3A_117 = tpu.vector_load %arg14[%swap3A_115, %swap3A_116] {strides = array<i32>} : memref<128x128xf32, #tpu.memory_space<vmem>>, vector<1x16xf32>,
      %swap3A_118 = vector.shape_cast %swap3A_117 : vector<1x16xf32> to vector<16xf32>
      %swap3A_119 = vector.shape_cast %scan3A_94#4 : vector<16xf32> to vector<1x16xf32>
      tpu.vector_store %arg14[%swap3A_115, %swap3A_116], %swap3A_119 {strides = array<i32>} : memref<128x128xf32, #tpu.memory_space<vmem>>, vector<1x16xf32>,
      %swap3A_120 = arith.index_cast %add3A_69 : i32 to index
      %swap3A_121 = arith.constant 80 : index
      %swap3A_122 = tpu.vector_load %arg14[%swap3A_120, %swap3A_121] {strides = array<i32>} : memref<128x128xf32, #tpu.memory_space<vmem>>, vector<1x16xf32>,
      %swap3A_123 = vector.shape_cast %swap3A_122 : vector<1x16xf32> to vector<16xf32>
      %swap3A_124 = vector.shape_cast %scan3A_94#5 : vector<16xf32> to vector<1x16xf32>
      tpu.vector_store %arg14[%swap3A_120, %swap3A_121], %swap3A_124 {strides = array<i32>} : memref<128x128xf32, #tpu.memory_space<vmem>>, vector<1x16xf32>,
      %swap3A_125 = arith.index_cast %add3A_69 : i32 to index
      %swap3A_126 = arith.constant 96 : index
      %swap3A_127 = tpu.vector_load %arg14[%swap3A_125, %swap3A_126] {strides = array<i32>} : memref<128x128xf32, #tpu.memory_space<vmem>>, vector<1x16xf32>,
      %swap3A_128 = vector.shape_cast %swap3A_127 : vector<1x16xf32> to vector<16xf32>
      %swap3A_129 = vector.shape_cast %scan3A_94#6 : vector<16xf32> to vector<1x16xf32>
      tpu.vector_store %arg14[%swap3A_125, %swap3A_126], %swap3A_129 {strides = array<i32>} : memref<128x128xf32, #tpu.memory_space<vmem>>, vector<1x16xf32>,
      %swap3A_130 = arith.index_cast %add3A_69 : i32 to index
      %swap3A_131 = arith.constant 112 : index
      %swap3A_132 = tpu.vector_load %arg14[%swap3A_130, %swap3A_131] {strides = array<i32>} : memref<128x128xf32, #tpu.memory_space<vmem>>, vector<1x16xf32>,
      %swap3A_133 = vector.shape_cast %swap3A_132 : vector<1x16xf32> to vector<16xf32>
      %swap3A_134 = vector.shape_cast %scan3A_94#7 : vector<16xf32> to vector<1x16xf32>
      tpu.vector_store %arg14[%swap3A_130, %swap3A_131], %swap3A_134 {strides = array<i32>} : memref<128x128xf32, #tpu.memory_space<vmem>>, vector<1x16xf32>,
      %add3A_135 = arith.constant 8 : i32
      %add3A_136 = arith.addi %add3A_69, %add3A_135 : i32
      %lt3A = arith.constant 128 : i32
      %lt3A_137 = arith.cmpi slt, %add3A_136, %lt3A : i32
      %convert_element_type3A = arith.extui %lt3A_137 : i1 to i32
      %cond3A = arith.constant 0 : i32
      %cond3A_138 = arith.cmpi ne, %convert_element_type3A, %cond3A : i32
      scf.if %cond3A_138 {
        %dma_start3A_678 = arith.constant 0 : i32
        %dma_start3A_679 = tpu.memref_slice %arg5[%add3A_136, %dma_start3A_678] : memref<128x50xi32, #tpu.memory_space<vmem>> -> memref<1x50xi32, #tpu.memory_space<vmem>>
        %dma_start3A_680 = tpu.memref_squeeze %dma_start3A_679 : memref<1x50xi32, #tpu.memory_space<vmem>> -> memref<50xi32, #tpu.memory_space<vmem>>
        %dma_start3A_681 = arith.constant 0 : i32
        %dma_start3A_682 = arith.constant 0 : i32
        %dma_start3A_683 = tpu.memref_slice %arg3[%dma_start3A_681, %dma_start3A_682] : memref<100000x128xf32, #tpu.memory_space<hbm>> -> memref<100000x128xf32, #tpu.memory_space<hbm>>
        tpu.enqueue_indirect_dma source(%dma_start3A_683 : memref<100000x128xf32, #tpu.memory_space<hbm>>) target(%arg6 : memref<50x128xf32, #tpu.memory_space<vmem>>) offsets(%dma_start3A_680 : memref<50xi32, #tpu.memory_space<vmem>>) semaphore(%arg15 : memref<!tpu.dma_semaphore, #tpu.memory_space<semaphore_mem>>)
      } else {
      }
      %add3A_139 = arith.constant 1 : i32
      %add3A_140 = arith.addi %mul3A_67, %add3A_139 : i32
      %dma_wait3A_141 = arith.constant 0 : i32
      %dma_wait3A_142 = tpu.memref_slice %arg5[%add3A_140, %dma_wait3A_141] : memref<128x50xi32, #tpu.memory_space<vmem>> -> memref<1x50xi32, #tpu.memory_space<vmem>>
      %dma_wait3A_143 = tpu.memref_squeeze %dma_wait3A_142 : memref<1x50xi32, #tpu.memory_space<vmem>> -> memref<50xi32, #tpu.memory_space<vmem>>
      %dma_wait3A_144 = arith.constant 0 : i32
      %dma_wait3A_145 = arith.constant 0 : i32
      %dma_wait3A_146 = tpu.memref_slice %arg3[%dma_wait3A_144, %dma_wait3A_145] : memref<100000x128xf32, #tpu.memory_space<hbm>> -> memref<100000x128xf32, #tpu.memory_space<hbm>>
      tpu.wait_indirect_dma semaphore(%arg16 : memref<!tpu.dma_semaphore, #tpu.memory_space<semaphore_mem>>) src(%dma_wait3A_146 : memref<100000x128xf32, #tpu.memory_space<hbm>>) dst(%arg7 : memref<50x128xf32, #tpu.memory_space<vmem>>)
      %broadcast_in_dim3A_147 = arith.constant 0.000000e+00 : f32
      %broadcast_in_dim3A_148 = vector.broadcast %broadcast_in_dim3A_147 : f32 to vector<16xf32>
      %broadcast_in_dim3A_149 = arith.constant 0.000000e+00 : f32
      %broadcast_in_dim3A_150 = vector.broadcast %broadcast_in_dim3A_149 : f32 to vector<16xf32>
      %broadcast_in_dim3A_151 = arith.constant 0.000000e+00 : f32
      %broadcast_in_dim3A_152 = vector.broadcast %broadcast_in_dim3A_151 : f32 to vector<16xf32>
      %broadcast_in_dim3A_153 = arith.constant 0.000000e+00 : f32
      %broadcast_in_dim3A_154 = vector.broadcast %broadcast_in_dim3A_153 : f32 to vector<16xf32>
      %broadcast_in_dim3A_155 = arith.constant 0.000000e+00 : f32
      %broadcast_in_dim3A_156 = vector.broadcast %broadcast_in_dim3A_155 : f32 to vector<16xf32>
      %broadcast_in_dim3A_157 = arith.constant 0.000000e+00 : f32
      %broadcast_in_dim3A_158 = vector.broadcast %broadcast_in_dim3A_157 : f32 to vector<16xf32>
      %broadcast_in_dim3A_159 = arith.constant 0.000000e+00 : f32
      %broadcast_in_dim3A_160 = vector.broadcast %broadcast_in_dim3A_159 : f32 to vector<16xf32>
      %broadcast_in_dim3A_161 = arith.constant 0.000000e+00 : f32
      %broadcast_in_dim3A_162 = vector.broadcast %broadcast_in_dim3A_161 : f32 to vector<16xf32>
      %scan3A_163 = arith.constant 0 : i32
      %scan3A_164 = arith.constant 50 : i32
      %scan3A_165 = arith.addi %scan3A_163, %scan3A_164 : i32
      %scan3A_166 = arith.constant 1 : i32
      %scan3A_167:8 = scf.for %scan3A_678 = %scan3A_163 to %scan3A_165 step %scan3A_166 iter_args(%scan3A_679 = %broadcast_in_dim3A_148, %scan3A_680 = %broadcast_in_dim3A_150, %scan3A_681 = %broadcast_in_dim3A_152, %scan3A_682 = %broadcast_in_dim3A_154, %scan3A_683 = %broadcast_in_dim3A_156, %scan3A_684 = %broadcast_in_dim3A_158, %scan3A_685 = %broadcast_in_dim3A_160, %scan3A_686 = %broadcast_in_dim3A_162) -> (vector<16xf32>, vector<16xf32>, vector<16xf32>, vector<16xf32>, vector<16xf32>, vector<16xf32>, vector<16xf32>, vector<16xf32>)  : i32 {
        %mul3A_687 = arith.constant 1 : i32
        %mul3A_688 = arith.muli %scan3A_678, %mul3A_687 : i32
        %add3A_689 = arith.constant 0 : i32
        %add3A_690 = arith.addi %mul3A_688, %add3A_689 : i32
        %get3A = arith.index_cast %add3A_690 : i32 to index
        %get3A_691 = arith.constant 0 : index
        %get3A_692 = tpu.vector_load %arg7[%get3A, %get3A_691] {strides = array<i32>} : memref<50x128xf32, #tpu.memory_space<vmem>>, vector<1x16xf32>,
        %get3A_693 = vector.shape_cast %get3A_692 : vector<1x16xf32> to vector<16xf32>
        %add3A_694 = arith.addf %scan3A_679, %get3A_693 : vector<16xf32>
        %add3A_695 = arith.constant 0 : i32
        %add3A_696 = arith.addi %mul3A_688, %add3A_695 : i32
        %get3A_697 = arith.index_cast %add3A_696 : i32 to index
        %get3A_698 = arith.constant 16 : index
        %get3A_699 = tpu.vector_load %arg7[%get3A_697, %get3A_698] {strides = array<i32>} : memref<50x128xf32, #tpu.memory_space<vmem>>, vector<1x16xf32>,
        %get3A_700 = vector.shape_cast %get3A_699 : vector<1x16xf32> to vector<16xf32>
        %add3A_701 = arith.addf %scan3A_680, %get3A_700 : vector<16xf32>
        %add3A_702 = arith.constant 0 : i32
        %add3A_703 = arith.addi %mul3A_688, %add3A_702 : i32
        %get3A_704 = arith.index_cast %add3A_703 : i32 to index
        %get3A_705 = arith.constant 32 : index
        %get3A_706 = tpu.vector_load %arg7[%get3A_704, %get3A_705] {strides = array<i32>} : memref<50x128xf32, #tpu.memory_space<vmem>>, vector<1x16xf32>,
        %get3A_707 = vector.shape_cast %get3A_706 : vector<1x16xf32> to vector<16xf32>
        %add3A_708 = arith.addf %scan3A_681, %get3A_707 : vector<16xf32>
        %add3A_709 = arith.constant 0 : i32
        %add3A_710 = arith.addi %mul3A_688, %add3A_709 : i32
        %get3A_711 = arith.index_cast %add3A_710 : i32 to index
        %get3A_712 = arith.constant 48 : index
        %get3A_713 = tpu.vector_load %arg7[%get3A_711, %get3A_712] {strides = array<i32>} : memref<50x128xf32, #tpu.memory_space<vmem>>, vector<1x16xf32>,
        %get3A_714 = vector.shape_cast %get3A_713 : vector<1x16xf32> to vector<16xf32>
        %add3A_715 = arith.addf %scan3A_682, %get3A_714 : vector<16xf32>
        %add3A_716 = arith.constant 0 : i32
        %add3A_717 = arith.addi %mul3A_688, %add3A_716 : i32
        %get3A_718 = arith.index_cast %add3A_717 : i32 to index
        %get3A_719 = arith.constant 64 : index
        %get3A_720 = tpu.vector_load %arg7[%get3A_718, %get3A_719] {strides = array<i32>} : memref<50x128xf32, #tpu.memory_space<vmem>>, vector<1x16xf32>,
        %get3A_721 = vector.shape_cast %get3A_720 : vector<1x16xf32> to vector<16xf32>
        %add3A_722 = arith.addf %scan3A_683, %get3A_721 : vector<16xf32>
        %add3A_723 = arith.constant 0 : i32
        %add3A_724 = arith.addi %mul3A_688, %add3A_723 : i32
        %get3A_725 = arith.index_cast %add3A_724 : i32 to index
        %get3A_726 = arith.constant 80 : index
        %get3A_727 = tpu.vector_load %arg7[%get3A_725, %get3A_726] {strides = array<i32>} : memref<50x128xf32, #tpu.memory_space<vmem>>, vector<1x16xf32>,
        %get3A_728 = vector.shape_cast %get3A_727 : vector<1x16xf32> to vector<16xf32>
        %add3A_729 = arith.addf %scan3A_684, %get3A_728 : vector<16xf32>
        %add3A_730 = arith.constant 0 : i32
        %add3A_731 = arith.addi %mul3A_688, %add3A_730 : i32
        %get3A_732 = arith.index_cast %add3A_731 : i32 to index
        %get3A_733 = arith.constant 96 : index
        %get3A_734 = tpu.vector_load %arg7[%get3A_732, %get3A_733] {strides = array<i32>} : memref<50x128xf32, #tpu.memory_space<vmem>>, vector<1x16xf32>,
        %get3A_735 = vector.shape_cast %get3A_734 : vector<1x16xf32> to vector<16xf32>
        %add3A_736 = arith.addf %scan3A_685, %get3A_735 : vector<16xf32>
        %add3A_737 = arith.constant 0 : i32
        %add3A_738 = arith.addi %mul3A_688, %add3A_737 : i32
        %get3A_739 = arith.index_cast %add3A_738 : i32 to index
        %get3A_740 = arith.constant 112 : index
        %get3A_741 = tpu.vector_load %arg7[%get3A_739, %get3A_740] {strides = array<i32>} : memref<50x128xf32, #tpu.memory_space<vmem>>, vector<1x16xf32>,
        %get3A_742 = vector.shape_cast %get3A_741 : vector<1x16xf32> to vector<16xf32>
        %add3A_743 = arith.addf %scan3A_686, %get3A_742 : vector<16xf32>
        scf.yield %add3A_694, %add3A_701, %add3A_708, %add3A_715, %add3A_722, %add3A_729, %add3A_736, %add3A_743 : vector<16xf32>, vector<16xf32>, vector<16xf32>, vector<16xf32>, vector<16xf32>, vector<16xf32>, vector<16xf32>, vector<16xf32>
      }
      %scan3A_168 = arith.constant 50 : i32
      %swap3A_169 = arith.index_cast %add3A_140 : i32 to index
      %swap3A_170 = arith.constant 0 : index
      %swap3A_171 = tpu.vector_load %arg14[%swap3A_169, %swap3A_170] {strides = array<i32>} : memref<128x128xf32, #tpu.memory_space<vmem>>, vector<1x16xf32>,
      %swap3A_172 = vector.shape_cast %swap3A_171 : vector<1x16xf32> to vector<16xf32>
      %swap3A_173 = vector.shape_cast %scan3A_167#0 : vector<16xf32> to vector<1x16xf32>
      tpu.vector_store %arg14[%swap3A_169, %swap3A_170], %swap3A_173 {strides = array<i32>} : memref<128x128xf32, #tpu.memory_space<vmem>>, vector<1x16xf32>,
      %swap3A_174 = arith.index_cast %add3A_140 : i32 to index
      %swap3A_175 = arith.constant 16 : index
      %swap3A_176 = tpu.vector_load %arg14[%swap3A_174, %swap3A_175] {strides = array<i32>} : memref<128x128xf32, #tpu.memory_space<vmem>>, vector<1x16xf32>,
      %swap3A_177 = vector.shape_cast %swap3A_176 : vector<1x16xf32> to vector<16xf32>
      %swap3A_178 = vector.shape_cast %scan3A_167#1 : vector<16xf32> to vector<1x16xf32>
      tpu.vector_store %arg14[%swap3A_174, %swap3A_175], %swap3A_178 {strides = array<i32>} : memref<128x128xf32, #tpu.memory_space<vmem>>, vector<1x16xf32>,
      %swap3A_179 = arith.index_cast %add3A_140 : i32 to index
      %swap3A_180 = arith.constant 32 : index
      %swap3A_181 = tpu.vector_load %arg14[%swap3A_179, %swap3A_180] {strides = array<i32>} : memref<128x128xf32, #tpu.memory_space<vmem>>, vector<1x16xf32>,
      %swap3A_182 = vector.shape_cast %swap3A_181 : vector<1x16xf32> to vector<16xf32>
      %swap3A_183 = vector.shape_cast %scan3A_167#2 : vector<16xf32> to vector<1x16xf32>
      tpu.vector_store %arg14[%swap3A_179, %swap3A_180], %swap3A_183 {strides = array<i32>} : memref<128x128xf32, #tpu.memory_space<vmem>>, vector<1x16xf32>,
      %swap3A_184 = arith.index_cast %add3A_140 : i32 to index
      %swap3A_185 = arith.constant 48 : index
      %swap3A_186 = tpu.vector_load %arg14[%swap3A_184, %swap3A_185] {strides = array<i32>} : memref<128x128xf32, #tpu.memory_space<vmem>>, vector<1x16xf32>,
      %swap3A_187 = vector.shape_cast %swap3A_186 : vector<1x16xf32> to vector<16xf32>
      %swap3A_188 = vector.shape_cast %scan3A_167#3 : vector<16xf32> to vector<1x16xf32>
      tpu.vector_store %arg14[%swap3A_184, %swap3A_185], %swap3A_188 {strides = array<i32>} : memref<128x128xf32, #tpu.memory_space<vmem>>, vector<1x16xf32>,
      %swap3A_189 = arith.index_cast %add3A_140 : i32 to index
      %swap3A_190 = arith.constant 64 : index
      %swap3A_191 = tpu.vector_load %arg14[%swap3A_189, %swap3A_190] {strides = array<i32>} : memref<128x128xf32, #tpu.memory_space<vmem>>, vector<1x16xf32>,
      %swap3A_192 = vector.shape_cast %swap3A_191 : vector<1x16xf32> to vector<16xf32>
      %swap3A_193 = vector.shape_cast %scan3A_167#4 : vector<16xf32> to vector<1x16xf32>
      tpu.vector_store %arg14[%swap3A_189, %swap3A_190], %swap3A_193 {strides = array<i32>} : memref<128x128xf32, #tpu.memory_space<vmem>>, vector<1x16xf32>,
      %swap3A_194 = arith.index_cast %add3A_140 : i32 to index
      %swap3A_195 = arith.constant 80 : index
      %swap3A_196 = tpu.vector_load %arg14[%swap3A_194, %swap3A_195] {strides = array<i32>} : memref<128x128xf32, #tpu.memory_space<vmem>>, vector<1x16xf32>,
      %swap3A_197 = vector.shape_cast %swap3A_196 : vector<1x16xf32> to vector<16xf32>
      %swap3A_198 = vector.shape_cast %scan3A_167#5 : vector<16xf32> to vector<1x16xf32>
      tpu.vector_store %arg14[%swap3A_194, %swap3A_195], %swap3A_198 {strides = array<i32>} : memref<128x128xf32, #tpu.memory_space<vmem>>, vector<1x16xf32>,
      %swap3A_199 = arith.index_cast %add3A_140 : i32 to index
      %swap3A_200 = arith.constant 96 : index
      %swap3A_201 = tpu.vector_load %arg14[%swap3A_199, %swap3A_200] {strides = array<i32>} : memref<128x128xf32, #tpu.memory_space<vmem>>, vector<1x16xf32>,
      %swap3A_202 = vector.shape_cast %swap3A_201 : vector<1x16xf32> to vector<16xf32>
      %swap3A_203 = vector.shape_cast %scan3A_167#6 : vector<16xf32> to vector<1x16xf32>
      tpu.vector_store %arg14[%swap3A_199, %swap3A_200], %swap3A_203 {strides = array<i32>} : memref<128x128xf32, #tpu.memory_space<vmem>>, vector<1x16xf32>,
      %swap3A_204 = arith.index_cast %add3A_140 : i32 to index
      %swap3A_205 = arith.constant 112 : index
      %swap3A_206 = tpu.vector_load %arg14[%swap3A_204, %swap3A_205] {strides = array<i32>} : memref<128x128xf32, #tpu.memory_space<vmem>>, vector<1x16xf32>,
      %swap3A_207 = vector.shape_cast %swap3A_206 : vector<1x16xf32> to vector<16xf32>
      %swap3A_208 = vector.shape_cast %scan3A_167#7 : vector<16xf32> to vector<1x16xf32>
      tpu.vector_store %arg14[%swap3A_204, %swap3A_205], %swap3A_208 {strides = array<i32>} : memref<128x128xf32, #tpu.memory_space<vmem>>, vector<1x16xf32>,
      %add3A_209 = arith.constant 8 : i32
      %add3A_210 = arith.addi %add3A_140, %add3A_209 : i32
      %lt3A_211 = arith.constant 128 : i32
      %lt3A_212 = arith.cmpi slt, %add3A_210, %lt3A_211 : i32
      %convert_element_type3A_213 = arith.extui %lt3A_212 : i1 to i32
      %cond3A_214 = arith.constant 0 : i32
      %cond3A_215 = arith.cmpi ne, %convert_element_type3A_213, %cond3A_214 : i32
      scf.if %cond3A_215 {
        %dma_start3A_678 = arith.constant 0 : i32
        %dma_start3A_679 = tpu.memref_slice %arg5[%add3A_210, %dma_start3A_678] : memref<128x50xi32, #tpu.memory_space<vmem>> -> memref<1x50xi32, #tpu.memory_space<vmem>>
        %dma_start3A_680 = tpu.memref_squeeze %dma_start3A_679 : memref<1x50xi32, #tpu.memory_space<vmem>> -> memref<50xi32, #tpu.memory_space<vmem>>
        %dma_start3A_681 = arith.constant 0 : i32
        %dma_start3A_682 = arith.constant 0 : i32
        %dma_start3A_683 = tpu.memref_slice %arg3[%dma_start3A_681, %dma_start3A_682] : memref<100000x128xf32, #tpu.memory_space<hbm>> -> memref<100000x128xf32, #tpu.memory_space<hbm>>
        tpu.enqueue_indirect_dma source(%dma_start3A_683 : memref<100000x128xf32, #tpu.memory_space<hbm>>) target(%arg7 : memref<50x128xf32, #tpu.memory_space<vmem>>) offsets(%dma_start3A_680 : memref<50xi32, #tpu.memory_space<vmem>>) semaphore(%arg16 : memref<!tpu.dma_semaphore, #tpu.memory_space<semaphore_mem>>)
      } else {
      }
      %add3A_216 = arith.constant 2 : i32
      %add3A_217 = arith.addi %mul3A_67, %add3A_216 : i32
      %dma_wait3A_218 = arith.constant 0 : i32
      %dma_wait3A_219 = tpu.memref_slice %arg5[%add3A_217, %dma_wait3A_218] : memref<128x50xi32, #tpu.memory_space<vmem>> -> memref<1x50xi32, #tpu.memory_space<vmem>>
      %dma_wait3A_220 = tpu.memref_squeeze %dma_wait3A_219 : memref<1x50xi32, #tpu.memory_space<vmem>> -> memref<50xi32, #tpu.memory_space<vmem>>
      %dma_wait3A_221 = arith.constant 0 : i32
      %dma_wait3A_222 = arith.constant 0 : i32
      %dma_wait3A_223 = tpu.memref_slice %arg3[%dma_wait3A_221, %dma_wait3A_222] : memref<100000x128xf32, #tpu.memory_space<hbm>> -> memref<100000x128xf32, #tpu.memory_space<hbm>>
      tpu.wait_indirect_dma semaphore(%arg17 : memref<!tpu.dma_semaphore, #tpu.memory_space<semaphore_mem>>) src(%dma_wait3A_223 : memref<100000x128xf32, #tpu.memory_space<hbm>>) dst(%arg8 : memref<50x128xf32, #tpu.memory_space<vmem>>)
      %broadcast_in_dim3A_224 = arith.constant 0.000000e+00 : f32
      %broadcast_in_dim3A_225 = vector.broadcast %broadcast_in_dim3A_224 : f32 to vector<16xf32>
      %broadcast_in_dim3A_226 = arith.constant 0.000000e+00 : f32
      %broadcast_in_dim3A_227 = vector.broadcast %broadcast_in_dim3A_226 : f32 to vector<16xf32>
      %broadcast_in_dim3A_228 = arith.constant 0.000000e+00 : f32
      %broadcast_in_dim3A_229 = vector.broadcast %broadcast_in_dim3A_228 : f32 to vector<16xf32>
      %broadcast_in_dim3A_230 = arith.constant 0.000000e+00 : f32
      %broadcast_in_dim3A_231 = vector.broadcast %broadcast_in_dim3A_230 : f32 to vector<16xf32>
      %broadcast_in_dim3A_232 = arith.constant 0.000000e+00 : f32
      %broadcast_in_dim3A_233 = vector.broadcast %broadcast_in_dim3A_232 : f32 to vector<16xf32>
      %broadcast_in_dim3A_234 = arith.constant 0.000000e+00 : f32
      %broadcast_in_dim3A_235 = vector.broadcast %broadcast_in_dim3A_234 : f32 to vector<16xf32>
      %broadcast_in_dim3A_236 = arith.constant 0.000000e+00 : f32
      %broadcast_in_dim3A_237 = vector.broadcast %broadcast_in_dim3A_236 : f32 to vector<16xf32>
      %broadcast_in_dim3A_238 = arith.constant 0.000000e+00 : f32
      %broadcast_in_dim3A_239 = vector.broadcast %broadcast_in_dim3A_238 : f32 to vector<16xf32>
      %scan3A_240 = arith.constant 0 : i32
      %scan3A_241 = arith.constant 50 : i32
      %scan3A_242 = arith.addi %scan3A_240, %scan3A_241 : i32
      %scan3A_243 = arith.constant 1 : i32
      %scan3A_244:8 = scf.for %scan3A_678 = %scan3A_240 to %scan3A_242 step %scan3A_243 iter_args(%scan3A_679 = %broadcast_in_dim3A_225, %scan3A_680 = %broadcast_in_dim3A_227, %scan3A_681 = %broadcast_in_dim3A_229, %scan3A_682 = %broadcast_in_dim3A_231, %scan3A_683 = %broadcast_in_dim3A_233, %scan3A_684 = %broadcast_in_dim3A_235, %scan3A_685 = %broadcast_in_dim3A_237, %scan3A_686 = %broadcast_in_dim3A_239) -> (vector<16xf32>, vector<16xf32>, vector<16xf32>, vector<16xf32>, vector<16xf32>, vector<16xf32>, vector<16xf32>, vector<16xf32>)  : i32 {
        %mul3A_687 = arith.constant 1 : i32
        %mul3A_688 = arith.muli %scan3A_678, %mul3A_687 : i32
        %add3A_689 = arith.constant 0 : i32
        %add3A_690 = arith.addi %mul3A_688, %add3A_689 : i32
        %get3A = arith.index_cast %add3A_690 : i32 to index
        %get3A_691 = arith.constant 0 : index
        %get3A_692 = tpu.vector_load %arg8[%get3A, %get3A_691] {strides = array<i32>} : memref<50x128xf32, #tpu.memory_space<vmem>>, vector<1x16xf32>,
        %get3A_693 = vector.shape_cast %get3A_692 : vector<1x16xf32> to vector<16xf32>
        %add3A_694 = arith.addf %scan3A_679, %get3A_693 : vector<16xf32>
        %add3A_695 = arith.constant 0 : i32
        %add3A_696 = arith.addi %mul3A_688, %add3A_695 : i32
        %get3A_697 = arith.index_cast %add3A_696 : i32 to index
        %get3A_698 = arith.constant 16 : index
        %get3A_699 = tpu.vector_load %arg8[%get3A_697, %get3A_698] {strides = array<i32>} : memref<50x128xf32, #tpu.memory_space<vmem>>, vector<1x16xf32>,
        %get3A_700 = vector.shape_cast %get3A_699 : vector<1x16xf32> to vector<16xf32>
        %add3A_701 = arith.addf %scan3A_680, %get3A_700 : vector<16xf32>
        %add3A_702 = arith.constant 0 : i32
        %add3A_703 = arith.addi %mul3A_688, %add3A_702 : i32
        %get3A_704 = arith.index_cast %add3A_703 : i32 to index
        %get3A_705 = arith.constant 32 : index
        %get3A_706 = tpu.vector_load %arg8[%get3A_704, %get3A_705] {strides = array<i32>} : memref<50x128xf32, #tpu.memory_space<vmem>>, vector<1x16xf32>,
        %get3A_707 = vector.shape_cast %get3A_706 : vector<1x16xf32> to vector<16xf32>
        %add3A_708 = arith.addf %scan3A_681, %get3A_707 : vector<16xf32>
        %add3A_709 = arith.constant 0 : i32
        %add3A_710 = arith.addi %mul3A_688, %add3A_709 : i32
        %get3A_711 = arith.index_cast %add3A_710 : i32 to index
        %get3A_712 = arith.constant 48 : index
        %get3A_713 = tpu.vector_load %arg8[%get3A_711, %get3A_712] {strides = array<i32>} : memref<50x128xf32, #tpu.memory_space<vmem>>, vector<1x16xf32>,
        %get3A_714 = vector.shape_cast %get3A_713 : vector<1x16xf32> to vector<16xf32>
        %add3A_715 = arith.addf %scan3A_682, %get3A_714 : vector<16xf32>
        %add3A_716 = arith.constant 0 : i32
        %add3A_717 = arith.addi %mul3A_688, %add3A_716 : i32
        %get3A_718 = arith.index_cast %add3A_717 : i32 to index
        %get3A_719 = arith.constant 64 : index
        %get3A_720 = tpu.vector_load %arg8[%get3A_718, %get3A_719] {strides = array<i32>} : memref<50x128xf32, #tpu.memory_space<vmem>>, vector<1x16xf32>,
        %get3A_721 = vector.shape_cast %get3A_720 : vector<1x16xf32> to vector<16xf32>
        %add3A_722 = arith.addf %scan3A_683, %get3A_721 : vector<16xf32>
        %add3A_723 = arith.constant 0 : i32
        %add3A_724 = arith.addi %mul3A_688, %add3A_723 : i32
        %get3A_725 = arith.index_cast %add3A_724 : i32 to index
        %get3A_726 = arith.constant 80 : index
        %get3A_727 = tpu.vector_load %arg8[%get3A_725, %get3A_726] {strides = array<i32>} : memref<50x128xf32, #tpu.memory_space<vmem>>, vector<1x16xf32>,
        %get3A_728 = vector.shape_cast %get3A_727 : vector<1x16xf32> to vector<16xf32>
        %add3A_729 = arith.addf %scan3A_684, %get3A_728 : vector<16xf32>
        %add3A_730 = arith.constant 0 : i32
        %add3A_731 = arith.addi %mul3A_688, %add3A_730 : i32
        %get3A_732 = arith.index_cast %add3A_731 : i32 to index
        %get3A_733 = arith.constant 96 : index
        %get3A_734 = tpu.vector_load %arg8[%get3A_732, %get3A_733] {strides = array<i32>} : memref<50x128xf32, #tpu.memory_space<vmem>>, vector<1x16xf32>,
        %get3A_735 = vector.shape_cast %get3A_734 : vector<1x16xf32> to vector<16xf32>
        %add3A_736 = arith.addf %scan3A_685, %get3A_735 : vector<16xf32>
        %add3A_737 = arith.constant 0 : i32
        %add3A_738 = arith.addi %mul3A_688, %add3A_737 : i32
        %get3A_739 = arith.index_cast %add3A_738 : i32 to index
        %get3A_740 = arith.constant 112 : index
        %get3A_741 = tpu.vector_load %arg8[%get3A_739, %get3A_740] {strides = array<i32>} : memref<50x128xf32, #tpu.memory_space<vmem>>, vector<1x16xf32>,
        %get3A_742 = vector.shape_cast %get3A_741 : vector<1x16xf32> to vector<16xf32>
        %add3A_743 = arith.addf %scan3A_686, %get3A_742 : vector<16xf32>
        scf.yield %add3A_694, %add3A_701, %add3A_708, %add3A_715, %add3A_722, %add3A_729, %add3A_736, %add3A_743 : vector<16xf32>, vector<16xf32>, vector<16xf32>, vector<16xf32>, vector<16xf32>, vector<16xf32>, vector<16xf32>, vector<16xf32>
      }
      %scan3A_245 = arith.constant 50 : i32
      %swap3A_246 = arith.index_cast %add3A_217 : i32 to index
      %swap3A_247 = arith.constant 0 : index
      %swap3A_248 = tpu.vector_load %arg14[%swap3A_246, %swap3A_247] {strides = array<i32>} : memref<128x128xf32, #tpu.memory_space<vmem>>, vector<1x16xf32>,
      %swap3A_249 = vector.shape_cast %swap3A_248 : vector<1x16xf32> to vector<16xf32>
      %swap3A_250 = vector.shape_cast %scan3A_244#0 : vector<16xf32> to vector<1x16xf32>
      tpu.vector_store %arg14[%swap3A_246, %swap3A_247], %swap3A_250 {strides = array<i32>} : memref<128x128xf32, #tpu.memory_space<vmem>>, vector<1x16xf32>,
      %swap3A_251 = arith.index_cast %add3A_217 : i32 to index
      %swap3A_252 = arith.constant 16 : index
      %swap3A_253 = tpu.vector_load %arg14[%swap3A_251, %swap3A_252] {strides = array<i32>} : memref<128x128xf32, #tpu.memory_space<vmem>>, vector<1x16xf32>,
      %swap3A_254 = vector.shape_cast %swap3A_253 : vector<1x16xf32> to vector<16xf32>
      %swap3A_255 = vector.shape_cast %scan3A_244#1 : vector<16xf32> to vector<1x16xf32>
      tpu.vector_store %arg14[%swap3A_251, %swap3A_252], %swap3A_255 {strides = array<i32>} : memref<128x128xf32, #tpu.memory_space<vmem>>, vector<1x16xf32>,
      %swap3A_256 = arith.index_cast %add3A_217 : i32 to index
      %swap3A_257 = arith.constant 32 : index
      %swap3A_258 = tpu.vector_load %arg14[%swap3A_256, %swap3A_257] {strides = array<i32>} : memref<128x128xf32, #tpu.memory_space<vmem>>, vector<1x16xf32>,
      %swap3A_259 = vector.shape_cast %swap3A_258 : vector<1x16xf32> to vector<16xf32>
      %swap3A_260 = vector.shape_cast %scan3A_244#2 : vector<16xf32> to vector<1x16xf32>
      tpu.vector_store %arg14[%swap3A_256, %swap3A_257], %swap3A_260 {strides = array<i32>} : memref<128x128xf32, #tpu.memory_space<vmem>>, vector<1x16xf32>,
      %swap3A_261 = arith.index_cast %add3A_217 : i32 to index
      %swap3A_262 = arith.constant 48 : index
      %swap3A_263 = tpu.vector_load %arg14[%swap3A_261, %swap3A_262] {strides = array<i32>} : memref<128x128xf32, #tpu.memory_space<vmem>>, vector<1x16xf32>,
      %swap3A_264 = vector.shape_cast %swap3A_263 : vector<1x16xf32> to vector<16xf32>
      %swap3A_265 = vector.shape_cast %scan3A_244#3 : vector<16xf32> to vector<1x16xf32>
      tpu.vector_store %arg14[%swap3A_261, %swap3A_262], %swap3A_265 {strides = array<i32>} : memref<128x128xf32, #tpu.memory_space<vmem>>, vector<1x16xf32>,
      %swap3A_266 = arith.index_cast %add3A_217 : i32 to index
      %swap3A_267 = arith.constant 64 : index
      %swap3A_268 = tpu.vector_load %arg14[%swap3A_266, %swap3A_267] {strides = array<i32>} : memref<128x128xf32, #tpu.memory_space<vmem>>, vector<1x16xf32>,
      %swap3A_269 = vector.shape_cast %swap3A_268 : vector<1x16xf32> to vector<16xf32>
      %swap3A_270 = vector.shape_cast %scan3A_244#4 : vector<16xf32> to vector<1x16xf32>
      tpu.vector_store %arg14[%swap3A_266, %swap3A_267], %swap3A_270 {strides = array<i32>} : memref<128x128xf32, #tpu.memory_space<vmem>>, vector<1x16xf32>,
      %swap3A_271 = arith.index_cast %add3A_217 : i32 to index
      %swap3A_272 = arith.constant 80 : index
      %swap3A_273 = tpu.vector_load %arg14[%swap3A_271, %swap3A_272] {strides = array<i32>} : memref<128x128xf32, #tpu.memory_space<vmem>>, vector<1x16xf32>,
      %swap3A_274 = vector.shape_cast %swap3A_273 : vector<1x16xf32> to vector<16xf32>
      %swap3A_275 = vector.shape_cast %scan3A_244#5 : vector<16xf32> to vector<1x16xf32>
      tpu.vector_store %arg14[%swap3A_271, %swap3A_272], %swap3A_275 {strides = array<i32>} : memref<128x128xf32, #tpu.memory_space<vmem>>, vector<1x16xf32>,
      %swap3A_276 = arith.index_cast %add3A_217 : i32 to index
      %swap3A_277 = arith.constant 96 : index
      %swap3A_278 = tpu.vector_load %arg14[%swap3A_276, %swap3A_277] {strides = array<i32>} : memref<128x128xf32, #tpu.memory_space<vmem>>, vector<1x16xf32>,
      %swap3A_279 = vector.shape_cast %swap3A_278 : vector<1x16xf32> to vector<16xf32>
      %swap3A_280 = vector.shape_cast %scan3A_244#6 : vector<16xf32> to vector<1x16xf32>
      tpu.vector_store %arg14[%swap3A_276, %swap3A_277], %swap3A_280 {strides = array<i32>} : memref<128x128xf32, #tpu.memory_space<vmem>>, vector<1x16xf32>,
      %swap3A_281 = arith.index_cast %add3A_217 : i32 to index
      %swap3A_282 = arith.constant 112 : index
      %swap3A_283 = tpu.vector_load %arg14[%swap3A_281, %swap3A_282] {strides = array<i32>} : memref<128x128xf32, #tpu.memory_space<vmem>>, vector<1x16xf32>,
      %swap3A_284 = vector.shape_cast %swap3A_283 : vector<1x16xf32> to vector<16xf32>
      %swap3A_285 = vector.shape_cast %scan3A_244#7 : vector<16xf32> to vector<1x16xf32>
      tpu.vector_store %arg14[%swap3A_281, %swap3A_282], %swap3A_285 {strides = array<i32>} : memref<128x128xf32, #tpu.memory_space<vmem>>, vector<1x16xf32>,
      %add3A_286 = arith.constant 8 : i32
      %add3A_287 = arith.addi %add3A_217, %add3A_286 : i32
      %lt3A_288 = arith.constant 128 : i32
      %lt3A_289 = arith.cmpi slt, %add3A_287, %lt3A_288 : i32
      %convert_element_type3A_290 = arith.extui %lt3A_289 : i1 to i32
      %cond3A_291 = arith.constant 0 : i32
      %cond3A_292 = arith.cmpi ne, %convert_element_type3A_290, %cond3A_291 : i32
      scf.if %cond3A_292 {
        %dma_start3A_678 = arith.constant 0 : i32
        %dma_start3A_679 = tpu.memref_slice %arg5[%add3A_287, %dma_start3A_678] : memref<128x50xi32, #tpu.memory_space<vmem>> -> memref<1x50xi32, #tpu.memory_space<vmem>>
        %dma_start3A_680 = tpu.memref_squeeze %dma_start3A_679 : memref<1x50xi32, #tpu.memory_space<vmem>> -> memref<50xi32, #tpu.memory_space<vmem>>
        %dma_start3A_681 = arith.constant 0 : i32
        %dma_start3A_682 = arith.constant 0 : i32
        %dma_start3A_683 = tpu.memref_slice %arg3[%dma_start3A_681, %dma_start3A_682] : memref<100000x128xf32, #tpu.memory_space<hbm>> -> memref<100000x128xf32, #tpu.memory_space<hbm>>
        tpu.enqueue_indirect_dma source(%dma_start3A_683 : memref<100000x128xf32, #tpu.memory_space<hbm>>) target(%arg8 : memref<50x128xf32, #tpu.memory_space<vmem>>) offsets(%dma_start3A_680 : memref<50xi32, #tpu.memory_space<vmem>>) semaphore(%arg17 : memref<!tpu.dma_semaphore, #tpu.memory_space<semaphore_mem>>)
      } else {
      }
      %add3A_293 = arith.constant 3 : i32
      %add3A_294 = arith.addi %mul3A_67, %add3A_293 : i32
      %dma_wait3A_295 = arith.constant 0 : i32
      %dma_wait3A_296 = tpu.memref_slice %arg5[%add3A_294, %dma_wait3A_295] : memref<128x50xi32, #tpu.memory_space<vmem>> -> memref<1x50xi32, #tpu.memory_space<vmem>>
      %dma_wait3A_297 = tpu.memref_squeeze %dma_wait3A_296 : memref<1x50xi32, #tpu.memory_space<vmem>> -> memref<50xi32, #tpu.memory_space<vmem>>
      %dma_wait3A_298 = arith.constant 0 : i32
      %dma_wait3A_299 = arith.constant 0 : i32
      %dma_wait3A_300 = tpu.memref_slice %arg3[%dma_wait3A_298, %dma_wait3A_299] : memref<100000x128xf32, #tpu.memory_space<hbm>> -> memref<100000x128xf32, #tpu.memory_space<hbm>>
      tpu.wait_indirect_dma semaphore(%arg18 : memref<!tpu.dma_semaphore, #tpu.memory_space<semaphore_mem>>) src(%dma_wait3A_300 : memref<100000x128xf32, #tpu.memory_space<hbm>>) dst(%arg9 : memref<50x128xf32, #tpu.memory_space<vmem>>)
      %broadcast_in_dim3A_301 = arith.constant 0.000000e+00 : f32
      %broadcast_in_dim3A_302 = vector.broadcast %broadcast_in_dim3A_301 : f32 to vector<16xf32>
      %broadcast_in_dim3A_303 = arith.constant 0.000000e+00 : f32
      %broadcast_in_dim3A_304 = vector.broadcast %broadcast_in_dim3A_303 : f32 to vector<16xf32>
      %broadcast_in_dim3A_305 = arith.constant 0.000000e+00 : f32
      %broadcast_in_dim3A_306 = vector.broadcast %broadcast_in_dim3A_305 : f32 to vector<16xf32>
      %broadcast_in_dim3A_307 = arith.constant 0.000000e+00 : f32
      %broadcast_in_dim3A_308 = vector.broadcast %broadcast_in_dim3A_307 : f32 to vector<16xf32>
      %broadcast_in_dim3A_309 = arith.constant 0.000000e+00 : f32
      %broadcast_in_dim3A_310 = vector.broadcast %broadcast_in_dim3A_309 : f32 to vector<16xf32>
      %broadcast_in_dim3A_311 = arith.constant 0.000000e+00 : f32
      %broadcast_in_dim3A_312 = vector.broadcast %broadcast_in_dim3A_311 : f32 to vector<16xf32>
      %broadcast_in_dim3A_313 = arith.constant 0.000000e+00 : f32
      %broadcast_in_dim3A_314 = vector.broadcast %broadcast_in_dim3A_313 : f32 to vector<16xf32>
      %broadcast_in_dim3A_315 = arith.constant 0.000000e+00 : f32
      %broadcast_in_dim3A_316 = vector.broadcast %broadcast_in_dim3A_315 : f32 to vector<16xf32>
      %scan3A_317 = arith.constant 0 : i32
      %scan3A_318 = arith.constant 50 : i32
      %scan3A_319 = arith.addi %scan3A_317, %scan3A_318 : i32
      %scan3A_320 = arith.constant 1 : i32
      %scan3A_321:8 = scf.for %scan3A_678 = %scan3A_317 to %scan3A_319 step %scan3A_320 iter_args(%scan3A_679 = %broadcast_in_dim3A_302, %scan3A_680 = %broadcast_in_dim3A_304, %scan3A_681 = %broadcast_in_dim3A_306, %scan3A_682 = %broadcast_in_dim3A_308, %scan3A_683 = %broadcast_in_dim3A_310, %scan3A_684 = %broadcast_in_dim3A_312, %scan3A_685 = %broadcast_in_dim3A_314, %scan3A_686 = %broadcast_in_dim3A_316) -> (vector<16xf32>, vector<16xf32>, vector<16xf32>, vector<16xf32>, vector<16xf32>, vector<16xf32>, vector<16xf32>, vector<16xf32>)  : i32 {
        %mul3A_687 = arith.constant 1 : i32
        %mul3A_688 = arith.muli %scan3A_678, %mul3A_687 : i32
        %add3A_689 = arith.constant 0 : i32
        %add3A_690 = arith.addi %mul3A_688, %add3A_689 : i32
        %get3A = arith.index_cast %add3A_690 : i32 to index
        %get3A_691 = arith.constant 0 : index
        %get3A_692 = tpu.vector_load %arg9[%get3A, %get3A_691] {strides = array<i32>} : memref<50x128xf32, #tpu.memory_space<vmem>>, vector<1x16xf32>,
        %get3A_693 = vector.shape_cast %get3A_692 : vector<1x16xf32> to vector<16xf32>
        %add3A_694 = arith.addf %scan3A_679, %get3A_693 : vector<16xf32>
        %add3A_695 = arith.constant 0 : i32
        %add3A_696 = arith.addi %mul3A_688, %add3A_695 : i32
        %get3A_697 = arith.index_cast %add3A_696 : i32 to index
        %get3A_698 = arith.constant 16 : index
        %get3A_699 = tpu.vector_load %arg9[%get3A_697, %get3A_698] {strides = array<i32>} : memref<50x128xf32, #tpu.memory_space<vmem>>, vector<1x16xf32>,
        %get3A_700 = vector.shape_cast %get3A_699 : vector<1x16xf32> to vector<16xf32>
        %add3A_701 = arith.addf %scan3A_680, %get3A_700 : vector<16xf32>
        %add3A_702 = arith.constant 0 : i32
        %add3A_703 = arith.addi %mul3A_688, %add3A_702 : i32
        %get3A_704 = arith.index_cast %add3A_703 : i32 to index
        %get3A_705 = arith.constant 32 : index
        %get3A_706 = tpu.vector_load %arg9[%get3A_704, %get3A_705] {strides = array<i32>} : memref<50x128xf32, #tpu.memory_space<vmem>>, vector<1x16xf32>,
        %get3A_707 = vector.shape_cast %get3A_706 : vector<1x16xf32> to vector<16xf32>
        %add3A_708 = arith.addf %scan3A_681, %get3A_707 : vector<16xf32>
        %add3A_709 = arith.constant 0 : i32
        %add3A_710 = arith.addi %mul3A_688, %add3A_709 : i32
        %get3A_711 = arith.index_cast %add3A_710 : i32 to index
        %get3A_712 = arith.constant 48 : index
        %get3A_713 = tpu.vector_load %arg9[%get3A_711, %get3A_712] {strides = array<i32>} : memref<50x128xf32, #tpu.memory_space<vmem>>, vector<1x16xf32>,
        %get3A_714 = vector.shape_cast %get3A_713 : vector<1x16xf32> to vector<16xf32>
        %add3A_715 = arith.addf %scan3A_682, %get3A_714 : vector<16xf32>
        %add3A_716 = arith.constant 0 : i32
        %add3A_717 = arith.addi %mul3A_688, %add3A_716 : i32
        %get3A_718 = arith.index_cast %add3A_717 : i32 to index
        %get3A_719 = arith.constant 64 : index
        %get3A_720 = tpu.vector_load %arg9[%get3A_718, %get3A_719] {strides = array<i32>} : memref<50x128xf32, #tpu.memory_space<vmem>>, vector<1x16xf32>,
        %get3A_721 = vector.shape_cast %get3A_720 : vector<1x16xf32> to vector<16xf32>
        %add3A_722 = arith.addf %scan3A_683, %get3A_721 : vector<16xf32>
        %add3A_723 = arith.constant 0 : i32
        %add3A_724 = arith.addi %mul3A_688, %add3A_723 : i32
        %get3A_725 = arith.index_cast %add3A_724 : i32 to index
        %get3A_726 = arith.constant 80 : index
        %get3A_727 = tpu.vector_load %arg9[%get3A_725, %get3A_726] {strides = array<i32>} : memref<50x128xf32, #tpu.memory_space<vmem>>, vector<1x16xf32>,
        %get3A_728 = vector.shape_cast %get3A_727 : vector<1x16xf32> to vector<16xf32>
        %add3A_729 = arith.addf %scan3A_684, %get3A_728 : vector<16xf32>
        %add3A_730 = arith.constant 0 : i32
        %add3A_731 = arith.addi %mul3A_688, %add3A_730 : i32
        %get3A_732 = arith.index_cast %add3A_731 : i32 to index
        %get3A_733 = arith.constant 96 : index
        %get3A_734 = tpu.vector_load %arg9[%get3A_732, %get3A_733] {strides = array<i32>} : memref<50x128xf32, #tpu.memory_space<vmem>>, vector<1x16xf32>,
        %get3A_735 = vector.shape_cast %get3A_734 : vector<1x16xf32> to vector<16xf32>
        %add3A_736 = arith.addf %scan3A_685, %get3A_735 : vector<16xf32>
        %add3A_737 = arith.constant 0 : i32
        %add3A_738 = arith.addi %mul3A_688, %add3A_737 : i32
        %get3A_739 = arith.index_cast %add3A_738 : i32 to index
        %get3A_740 = arith.constant 112 : index
        %get3A_741 = tpu.vector_load %arg9[%get3A_739, %get3A_740] {strides = array<i32>} : memref<50x128xf32, #tpu.memory_space<vmem>>, vector<1x16xf32>,
        %get3A_742 = vector.shape_cast %get3A_741 : vector<1x16xf32> to vector<16xf32>
        %add3A_743 = arith.addf %scan3A_686, %get3A_742 : vector<16xf32>
        scf.yield %add3A_694, %add3A_701, %add3A_708, %add3A_715, %add3A_722, %add3A_729, %add3A_736, %add3A_743 : vector<16xf32>, vector<16xf32>, vector<16xf32>, vector<16xf32>, vector<16xf32>, vector<16xf32>, vector<16xf32>, vector<16xf32>
      }
      %scan3A_322 = arith.constant 50 : i32
      %swap3A_323 = arith.index_cast %add3A_294 : i32 to index
      %swap3A_324 = arith.constant 0 : index
      %swap3A_325 = tpu.vector_load %arg14[%swap3A_323, %swap3A_324] {strides = array<i32>} : memref<128x128xf32, #tpu.memory_space<vmem>>, vector<1x16xf32>,
      %swap3A_326 = vector.shape_cast %swap3A_325 : vector<1x16xf32> to vector<16xf32>
      %swap3A_327 = vector.shape_cast %scan3A_321#0 : vector<16xf32> to vector<1x16xf32>
      tpu.vector_store %arg14[%swap3A_323, %swap3A_324], %swap3A_327 {strides = array<i32>} : memref<128x128xf32, #tpu.memory_space<vmem>>, vector<1x16xf32>,
      %swap3A_328 = arith.index_cast %add3A_294 : i32 to index
      %swap3A_329 = arith.constant 16 : index
      %swap3A_330 = tpu.vector_load %arg14[%swap3A_328, %swap3A_329] {strides = array<i32>} : memref<128x128xf32, #tpu.memory_space<vmem>>, vector<1x16xf32>,
      %swap3A_331 = vector.shape_cast %swap3A_330 : vector<1x16xf32> to vector<16xf32>
      %swap3A_332 = vector.shape_cast %scan3A_321#1 : vector<16xf32> to vector<1x16xf32>
      tpu.vector_store %arg14[%swap3A_328, %swap3A_329], %swap3A_332 {strides = array<i32>} : memref<128x128xf32, #tpu.memory_space<vmem>>, vector<1x16xf32>,
      %swap3A_333 = arith.index_cast %add3A_294 : i32 to index
      %swap3A_334 = arith.constant 32 : index
      %swap3A_335 = tpu.vector_load %arg14[%swap3A_333, %swap3A_334] {strides = array<i32>} : memref<128x128xf32, #tpu.memory_space<vmem>>, vector<1x16xf32>,
      %swap3A_336 = vector.shape_cast %swap3A_335 : vector<1x16xf32> to vector<16xf32>
      %swap3A_337 = vector.shape_cast %scan3A_321#2 : vector<16xf32> to vector<1x16xf32>
      tpu.vector_store %arg14[%swap3A_333, %swap3A_334], %swap3A_337 {strides = array<i32>} : memref<128x128xf32, #tpu.memory_space<vmem>>, vector<1x16xf32>,
      %swap3A_338 = arith.index_cast %add3A_294 : i32 to index
      %swap3A_339 = arith.constant 48 : index
      %swap3A_340 = tpu.vector_load %arg14[%swap3A_338, %swap3A_339] {strides = array<i32>} : memref<128x128xf32, #tpu.memory_space<vmem>>, vector<1x16xf32>,
      %swap3A_341 = vector.shape_cast %swap3A_340 : vector<1x16xf32> to vector<16xf32>
      %swap3A_342 = vector.shape_cast %scan3A_321#3 : vector<16xf32> to vector<1x16xf32>
      tpu.vector_store %arg14[%swap3A_338, %swap3A_339], %swap3A_342 {strides = array<i32>} : memref<128x128xf32, #tpu.memory_space<vmem>>, vector<1x16xf32>,
      %swap3A_343 = arith.index_cast %add3A_294 : i32 to index
      %swap3A_344 = arith.constant 64 : index
      %swap3A_345 = tpu.vector_load %arg14[%swap3A_343, %swap3A_344] {strides = array<i32>} : memref<128x128xf32, #tpu.memory_space<vmem>>, vector<1x16xf32>,
      %swap3A_346 = vector.shape_cast %swap3A_345 : vector<1x16xf32> to vector<16xf32>
      %swap3A_347 = vector.shape_cast %scan3A_321#4 : vector<16xf32> to vector<1x16xf32>
      tpu.vector_store %arg14[%swap3A_343, %swap3A_344], %swap3A_347 {strides = array<i32>} : memref<128x128xf32, #tpu.memory_space<vmem>>, vector<1x16xf32>,
      %swap3A_348 = arith.index_cast %add3A_294 : i32 to index
      %swap3A_349 = arith.constant 80 : index
      %swap3A_350 = tpu.vector_load %arg14[%swap3A_348, %swap3A_349] {strides = array<i32>} : memref<128x128xf32, #tpu.memory_space<vmem>>, vector<1x16xf32>,
      %swap3A_351 = vector.shape_cast %swap3A_350 : vector<1x16xf32> to vector<16xf32>
      %swap3A_352 = vector.shape_cast %scan3A_321#5 : vector<16xf32> to vector<1x16xf32>
      tpu.vector_store %arg14[%swap3A_348, %swap3A_349], %swap3A_352 {strides = array<i32>} : memref<128x128xf32, #tpu.memory_space<vmem>>, vector<1x16xf32>,
      %swap3A_353 = arith.index_cast %add3A_294 : i32 to index
      %swap3A_354 = arith.constant 96 : index
      %swap3A_355 = tpu.vector_load %arg14[%swap3A_353, %swap3A_354] {strides = array<i32>} : memref<128x128xf32, #tpu.memory_space<vmem>>, vector<1x16xf32>,
      %swap3A_356 = vector.shape_cast %swap3A_355 : vector<1x16xf32> to vector<16xf32>
      %swap3A_357 = vector.shape_cast %scan3A_321#6 : vector<16xf32> to vector<1x16xf32>
      tpu.vector_store %arg14[%swap3A_353, %swap3A_354], %swap3A_357 {strides = array<i32>} : memref<128x128xf32, #tpu.memory_space<vmem>>, vector<1x16xf32>,
      %swap3A_358 = arith.index_cast %add3A_294 : i32 to index
      %swap3A_359 = arith.constant 112 : index
      %swap3A_360 = tpu.vector_load %arg14[%swap3A_358, %swap3A_359] {strides = array<i32>} : memref<128x128xf32, #tpu.memory_space<vmem>>, vector<1x16xf32>,
      %swap3A_361 = vector.shape_cast %swap3A_360 : vector<1x16xf32> to vector<16xf32>
      %swap3A_362 = vector.shape_cast %scan3A_321#7 : vector<16xf32> to vector<1x16xf32>
      tpu.vector_store %arg14[%swap3A_358, %swap3A_359], %swap3A_362 {strides = array<i32>} : memref<128x128xf32, #tpu.memory_space<vmem>>, vector<1x16xf32>,
      %add3A_363 = arith.constant 8 : i32
      %add3A_364 = arith.addi %add3A_294, %add3A_363 : i32
      %lt3A_365 = arith.constant 128 : i32
      %lt3A_366 = arith.cmpi slt, %add3A_364, %lt3A_365 : i32
      %convert_element_type3A_367 = arith.extui %lt3A_366 : i1 to i32
      %cond3A_368 = arith.constant 0 : i32
      %cond3A_369 = arith.cmpi ne, %convert_element_type3A_367, %cond3A_368 : i32
      scf.if %cond3A_369 {
        %dma_start3A_678 = arith.constant 0 : i32
        %dma_start3A_679 = tpu.memref_slice %arg5[%add3A_364, %dma_start3A_678] : memref<128x50xi32, #tpu.memory_space<vmem>> -> memref<1x50xi32, #tpu.memory_space<vmem>>
        %dma_start3A_680 = tpu.memref_squeeze %dma_start3A_679 : memref<1x50xi32, #tpu.memory_space<vmem>> -> memref<50xi32, #tpu.memory_space<vmem>>
        %dma_start3A_681 = arith.constant 0 : i32
        %dma_start3A_682 = arith.constant 0 : i32
        %dma_start3A_683 = tpu.memref_slice %arg3[%dma_start3A_681, %dma_start3A_682] : memref<100000x128xf32, #tpu.memory_space<hbm>> -> memref<100000x128xf32, #tpu.memory_space<hbm>>
        tpu.enqueue_indirect_dma source(%dma_start3A_683 : memref<100000x128xf32, #tpu.memory_space<hbm>>) target(%arg9 : memref<50x128xf32, #tpu.memory_space<vmem>>) offsets(%dma_start3A_680 : memref<50xi32, #tpu.memory_space<vmem>>) semaphore(%arg18 : memref<!tpu.dma_semaphore, #tpu.memory_space<semaphore_mem>>)
      } else {
      }
      %add3A_370 = arith.constant 4 : i32
      %add3A_371 = arith.addi %mul3A_67, %add3A_370 : i32
      %dma_wait3A_372 = arith.constant 0 : i32
      %dma_wait3A_373 = tpu.memref_slice %arg5[%add3A_371, %dma_wait3A_372] : memref<128x50xi32, #tpu.memory_space<vmem>> -> memref<1x50xi32, #tpu.memory_space<vmem>>
      %dma_wait3A_374 = tpu.memref_squeeze %dma_wait3A_373 : memref<1x50xi32, #tpu.memory_space<vmem>> -> memref<50xi32, #tpu.memory_space<vmem>>
      %dma_wait3A_375 = arith.constant 0 : i32
      %dma_wait3A_376 = arith.constant 0 : i32
      %dma_wait3A_377 = tpu.memref_slice %arg3[%dma_wait3A_375, %dma_wait3A_376] : memref<100000x128xf32, #tpu.memory_space<hbm>> -> memref<100000x128xf32, #tpu.memory_space<hbm>>
      tpu.wait_indirect_dma semaphore(%arg19 : memref<!tpu.dma_semaphore, #tpu.memory_space<semaphore_mem>>) src(%dma_wait3A_377 : memref<100000x128xf32, #tpu.memory_space<hbm>>) dst(%arg10 : memref<50x128xf32, #tpu.memory_space<vmem>>)
      %broadcast_in_dim3A_378 = arith.constant 0.000000e+00 : f32
      %broadcast_in_dim3A_379 = vector.broadcast %broadcast_in_dim3A_378 : f32 to vector<16xf32>
      %broadcast_in_dim3A_380 = arith.constant 0.000000e+00 : f32
      %broadcast_in_dim3A_381 = vector.broadcast %broadcast_in_dim3A_380 : f32 to vector<16xf32>
      %broadcast_in_dim3A_382 = arith.constant 0.000000e+00 : f32
      %broadcast_in_dim3A_383 = vector.broadcast %broadcast_in_dim3A_382 : f32 to vector<16xf32>
      %broadcast_in_dim3A_384 = arith.constant 0.000000e+00 : f32
      %broadcast_in_dim3A_385 = vector.broadcast %broadcast_in_dim3A_384 : f32 to vector<16xf32>
      %broadcast_in_dim3A_386 = arith.constant 0.000000e+00 : f32
      %broadcast_in_dim3A_387 = vector.broadcast %broadcast_in_dim3A_386 : f32 to vector<16xf32>
      %broadcast_in_dim3A_388 = arith.constant 0.000000e+00 : f32
      %broadcast_in_dim3A_389 = vector.broadcast %broadcast_in_dim3A_388 : f32 to vector<16xf32>
      %broadcast_in_dim3A_390 = arith.constant 0.000000e+00 : f32
      %broadcast_in_dim3A_391 = vector.broadcast %broadcast_in_dim3A_390 : f32 to vector<16xf32>
      %broadcast_in_dim3A_392 = arith.constant 0.000000e+00 : f32
      %broadcast_in_dim3A_393 = vector.broadcast %broadcast_in_dim3A_392 : f32 to vector<16xf32>
      %scan3A_394 = arith.constant 0 : i32
      %scan3A_395 = arith.constant 50 : i32
      %scan3A_396 = arith.addi %scan3A_394, %scan3A_395 : i32
      %scan3A_397 = arith.constant 1 : i32
      %scan3A_398:8 = scf.for %scan3A_678 = %scan3A_394 to %scan3A_396 step %scan3A_397 iter_args(%scan3A_679 = %broadcast_in_dim3A_379, %scan3A_680 = %broadcast_in_dim3A_381, %scan3A_681 = %broadcast_in_dim3A_383, %scan3A_682 = %broadcast_in_dim3A_385, %scan3A_683 = %broadcast_in_dim3A_387, %scan3A_684 = %broadcast_in_dim3A_389, %scan3A_685 = %broadcast_in_dim3A_391, %scan3A_686 = %broadcast_in_dim3A_393) -> (vector<16xf32>, vector<16xf32>, vector<16xf32>, vector<16xf32>, vector<16xf32>, vector<16xf32>, vector<16xf32>, vector<16xf32>)  : i32 {
        %mul3A_687 = arith.constant 1 : i32
        %mul3A_688 = arith.muli %scan3A_678, %mul3A_687 : i32
        %add3A_689 = arith.constant 0 : i32
        %add3A_690 = arith.addi %mul3A_688, %add3A_689 : i32
        %get3A = arith.index_cast %add3A_690 : i32 to index
        %get3A_691 = arith.constant 0 : index
        %get3A_692 = tpu.vector_load %arg10[%get3A, %get3A_691] {strides = array<i32>} : memref<50x128xf32, #tpu.memory_space<vmem>>, vector<1x16xf32>,
        %get3A_693 = vector.shape_cast %get3A_692 : vector<1x16xf32> to vector<16xf32>
        %add3A_694 = arith.addf %scan3A_679, %get3A_693 : vector<16xf32>
        %add3A_695 = arith.constant 0 : i32
        %add3A_696 = arith.addi %mul3A_688, %add3A_695 : i32
        %get3A_697 = arith.index_cast %add3A_696 : i32 to index
        %get3A_698 = arith.constant 16 : index
        %get3A_699 = tpu.vector_load %arg10[%get3A_697, %get3A_698] {strides = array<i32>} : memref<50x128xf32, #tpu.memory_space<vmem>>, vector<1x16xf32>,
        %get3A_700 = vector.shape_cast %get3A_699 : vector<1x16xf32> to vector<16xf32>
        %add3A_701 = arith.addf %scan3A_680, %get3A_700 : vector<16xf32>
        %add3A_702 = arith.constant 0 : i32
        %add3A_703 = arith.addi %mul3A_688, %add3A_702 : i32
        %get3A_704 = arith.index_cast %add3A_703 : i32 to index
        %get3A_705 = arith.constant 32 : index
        %get3A_706 = tpu.vector_load %arg10[%get3A_704, %get3A_705] {strides = array<i32>} : memref<50x128xf32, #tpu.memory_space<vmem>>, vector<1x16xf32>,
        %get3A_707 = vector.shape_cast %get3A_706 : vector<1x16xf32> to vector<16xf32>
        %add3A_708 = arith.addf %scan3A_681, %get3A_707 : vector<16xf32>
        %add3A_709 = arith.constant 0 : i32
        %add3A_710 = arith.addi %mul3A_688, %add3A_709 : i32
        %get3A_711 = arith.index_cast %add3A_710 : i32 to index
        %get3A_712 = arith.constant 48 : index
        %get3A_713 = tpu.vector_load %arg10[%get3A_711, %get3A_712] {strides = array<i32>} : memref<50x128xf32, #tpu.memory_space<vmem>>, vector<1x16xf32>,
        %get3A_714 = vector.shape_cast %get3A_713 : vector<1x16xf32> to vector<16xf32>
        %add3A_715 = arith.addf %scan3A_682, %get3A_714 : vector<16xf32>
        %add3A_716 = arith.constant 0 : i32
        %add3A_717 = arith.addi %mul3A_688, %add3A_716 : i32
        %get3A_718 = arith.index_cast %add3A_717 : i32 to index
        %get3A_719 = arith.constant 64 : index
        %get3A_720 = tpu.vector_load %arg10[%get3A_718, %get3A_719] {strides = array<i32>} : memref<50x128xf32, #tpu.memory_space<vmem>>, vector<1x16xf32>,
        %get3A_721 = vector.shape_cast %get3A_720 : vector<1x16xf32> to vector<16xf32>
        %add3A_722 = arith.addf %scan3A_683, %get3A_721 : vector<16xf32>
        %add3A_723 = arith.constant 0 : i32
        %add3A_724 = arith.addi %mul3A_688, %add3A_723 : i32
        %get3A_725 = arith.index_cast %add3A_724 : i32 to index
        %get3A_726 = arith.constant 80 : index
        %get3A_727 = tpu.vector_load %arg10[%get3A_725, %get3A_726] {strides = array<i32>} : memref<50x128xf32, #tpu.memory_space<vmem>>, vector<1x16xf32>,
        %get3A_728 = vector.shape_cast %get3A_727 : vector<1x16xf32> to vector<16xf32>
        %add3A_729 = arith.addf %scan3A_684, %get3A_728 : vector<16xf32>
        %add3A_730 = arith.constant 0 : i32
        %add3A_731 = arith.addi %mul3A_688, %add3A_730 : i32
        %get3A_732 = arith.index_cast %add3A_731 : i32 to index
        %get3A_733 = arith.constant 96 : index
        %get3A_734 = tpu.vector_load %arg10[%get3A_732, %get3A_733] {strides = array<i32>} : memref<50x128xf32, #tpu.memory_space<vmem>>, vector<1x16xf32>,
        %get3A_735 = vector.shape_cast %get3A_734 : vector<1x16xf32> to vector<16xf32>
        %add3A_736 = arith.addf %scan3A_685, %get3A_735 : vector<16xf32>
        %add3A_737 = arith.constant 0 : i32
        %add3A_738 = arith.addi %mul3A_688, %add3A_737 : i32
        %get3A_739 = arith.index_cast %add3A_738 : i32 to index
        %get3A_740 = arith.constant 112 : index
        %get3A_741 = tpu.vector_load %arg10[%get3A_739, %get3A_740] {strides = array<i32>} : memref<50x128xf32, #tpu.memory_space<vmem>>, vector<1x16xf32>,
        %get3A_742 = vector.shape_cast %get3A_741 : vector<1x16xf32> to vector<16xf32>
        %add3A_743 = arith.addf %scan3A_686, %get3A_742 : vector<16xf32>
        scf.yield %add3A_694, %add3A_701, %add3A_708, %add3A_715, %add3A_722, %add3A_729, %add3A_736, %add3A_743 : vector<16xf32>, vector<16xf32>, vector<16xf32>, vector<16xf32>, vector<16xf32>, vector<16xf32>, vector<16xf32>, vector<16xf32>
      }
      %scan3A_399 = arith.constant 50 : i32
      %swap3A_400 = arith.index_cast %add3A_371 : i32 to index
      %swap3A_401 = arith.constant 0 : index
      %swap3A_402 = tpu.vector_load %arg14[%swap3A_400, %swap3A_401] {strides = array<i32>} : memref<128x128xf32, #tpu.memory_space<vmem>>, vector<1x16xf32>,
      %swap3A_403 = vector.shape_cast %swap3A_402 : vector<1x16xf32> to vector<16xf32>
      %swap3A_404 = vector.shape_cast %scan3A_398#0 : vector<16xf32> to vector<1x16xf32>
      tpu.vector_store %arg14[%swap3A_400, %swap3A_401], %swap3A_404 {strides = array<i32>} : memref<128x128xf32, #tpu.memory_space<vmem>>, vector<1x16xf32>,
      %swap3A_405 = arith.index_cast %add3A_371 : i32 to index
      %swap3A_406 = arith.constant 16 : index
      %swap3A_407 = tpu.vector_load %arg14[%swap3A_405, %swap3A_406] {strides = array<i32>} : memref<128x128xf32, #tpu.memory_space<vmem>>, vector<1x16xf32>,
      %swap3A_408 = vector.shape_cast %swap3A_407 : vector<1x16xf32> to vector<16xf32>
      %swap3A_409 = vector.shape_cast %scan3A_398#1 : vector<16xf32> to vector<1x16xf32>
      tpu.vector_store %arg14[%swap3A_405, %swap3A_406], %swap3A_409 {strides = array<i32>} : memref<128x128xf32, #tpu.memory_space<vmem>>, vector<1x16xf32>,
      %swap3A_410 = arith.index_cast %add3A_371 : i32 to index
      %swap3A_411 = arith.constant 32 : index
      %swap3A_412 = tpu.vector_load %arg14[%swap3A_410, %swap3A_411] {strides = array<i32>} : memref<128x128xf32, #tpu.memory_space<vmem>>, vector<1x16xf32>,
      %swap3A_413 = vector.shape_cast %swap3A_412 : vector<1x16xf32> to vector<16xf32>
      %swap3A_414 = vector.shape_cast %scan3A_398#2 : vector<16xf32> to vector<1x16xf32>
      tpu.vector_store %arg14[%swap3A_410, %swap3A_411], %swap3A_414 {strides = array<i32>} : memref<128x128xf32, #tpu.memory_space<vmem>>, vector<1x16xf32>,
      %swap3A_415 = arith.index_cast %add3A_371 : i32 to index
      %swap3A_416 = arith.constant 48 : index
      %swap3A_417 = tpu.vector_load %arg14[%swap3A_415, %swap3A_416] {strides = array<i32>} : memref<128x128xf32, #tpu.memory_space<vmem>>, vector<1x16xf32>,
      %swap3A_418 = vector.shape_cast %swap3A_417 : vector<1x16xf32> to vector<16xf32>
      %swap3A_419 = vector.shape_cast %scan3A_398#3 : vector<16xf32> to vector<1x16xf32>
      tpu.vector_store %arg14[%swap3A_415, %swap3A_416], %swap3A_419 {strides = array<i32>} : memref<128x128xf32, #tpu.memory_space<vmem>>, vector<1x16xf32>,
      %swap3A_420 = arith.index_cast %add3A_371 : i32 to index
      %swap3A_421 = arith.constant 64 : index
      %swap3A_422 = tpu.vector_load %arg14[%swap3A_420, %swap3A_421] {strides = array<i32>} : memref<128x128xf32, #tpu.memory_space<vmem>>, vector<1x16xf32>,
      %swap3A_423 = vector.shape_cast %swap3A_422 : vector<1x16xf32> to vector<16xf32>
      %swap3A_424 = vector.shape_cast %scan3A_398#4 : vector<16xf32> to vector<1x16xf32>
      tpu.vector_store %arg14[%swap3A_420, %swap3A_421], %swap3A_424 {strides = array<i32>} : memref<128x128xf32, #tpu.memory_space<vmem>>, vector<1x16xf32>,
      %swap3A_425 = arith.index_cast %add3A_371 : i32 to index
      %swap3A_426 = arith.constant 80 : index
      %swap3A_427 = tpu.vector_load %arg14[%swap3A_425, %swap3A_426] {strides = array<i32>} : memref<128x128xf32, #tpu.memory_space<vmem>>, vector<1x16xf32>,
      %swap3A_428 = vector.shape_cast %swap3A_427 : vector<1x16xf32> to vector<16xf32>
      %swap3A_429 = vector.shape_cast %scan3A_398#5 : vector<16xf32> to vector<1x16xf32>
      tpu.vector_store %arg14[%swap3A_425, %swap3A_426], %swap3A_429 {strides = array<i32>} : memref<128x128xf32, #tpu.memory_space<vmem>>, vector<1x16xf32>,
      %swap3A_430 = arith.index_cast %add3A_371 : i32 to index
      %swap3A_431 = arith.constant 96 : index
      %swap3A_432 = tpu.vector_load %arg14[%swap3A_430, %swap3A_431] {strides = array<i32>} : memref<128x128xf32, #tpu.memory_space<vmem>>, vector<1x16xf32>,
      %swap3A_433 = vector.shape_cast %swap3A_432 : vector<1x16xf32> to vector<16xf32>
      %swap3A_434 = vector.shape_cast %scan3A_398#6 : vector<16xf32> to vector<1x16xf32>
      tpu.vector_store %arg14[%swap3A_430, %swap3A_431], %swap3A_434 {strides = array<i32>} : memref<128x128xf32, #tpu.memory_space<vmem>>, vector<1x16xf32>,
      %swap3A_435 = arith.index_cast %add3A_371 : i32 to index
      %swap3A_436 = arith.constant 112 : index
      %swap3A_437 = tpu.vector_load %arg14[%swap3A_435, %swap3A_436] {strides = array<i32>} : memref<128x128xf32, #tpu.memory_space<vmem>>, vector<1x16xf32>,
      %swap3A_438 = vector.shape_cast %swap3A_437 : vector<1x16xf32> to vector<16xf32>
      %swap3A_439 = vector.shape_cast %scan3A_398#7 : vector<16xf32> to vector<1x16xf32>
      tpu.vector_store %arg14[%swap3A_435, %swap3A_436], %swap3A_439 {strides = array<i32>} : memref<128x128xf32, #tpu.memory_space<vmem>>, vector<1x16xf32>,
      %add3A_440 = arith.constant 8 : i32
      %add3A_441 = arith.addi %add3A_371, %add3A_440 : i32
      %lt3A_442 = arith.constant 128 : i32
      %lt3A_443 = arith.cmpi slt, %add3A_441, %lt3A_442 : i32
      %convert_element_type3A_444 = arith.extui %lt3A_443 : i1 to i32
      %cond3A_445 = arith.constant 0 : i32
      %cond3A_446 = arith.cmpi ne, %convert_element_type3A_444, %cond3A_445 : i32
      scf.if %cond3A_446 {
        %dma_start3A_678 = arith.constant 0 : i32
        %dma_start3A_679 = tpu.memref_slice %arg5[%add3A_441, %dma_start3A_678] : memref<128x50xi32, #tpu.memory_space<vmem>> -> memref<1x50xi32, #tpu.memory_space<vmem>>
        %dma_start3A_680 = tpu.memref_squeeze %dma_start3A_679 : memref<1x50xi32, #tpu.memory_space<vmem>> -> memref<50xi32, #tpu.memory_space<vmem>>
        %dma_start3A_681 = arith.constant 0 : i32
        %dma_start3A_682 = arith.constant 0 : i32
        %dma_start3A_683 = tpu.memref_slice %arg3[%dma_start3A_681, %dma_start3A_682] : memref<100000x128xf32, #tpu.memory_space<hbm>> -> memref<100000x128xf32, #tpu.memory_space<hbm>>
        tpu.enqueue_indirect_dma source(%dma_start3A_683 : memref<100000x128xf32, #tpu.memory_space<hbm>>) target(%arg10 : memref<50x128xf32, #tpu.memory_space<vmem>>) offsets(%dma_start3A_680 : memref<50xi32, #tpu.memory_space<vmem>>) semaphore(%arg19 : memref<!tpu.dma_semaphore, #tpu.memory_space<semaphore_mem>>)
      } else {
      }
      %add3A_447 = arith.constant 5 : i32
      %add3A_448 = arith.addi %mul3A_67, %add3A_447 : i32
      %dma_wait3A_449 = arith.constant 0 : i32
      %dma_wait3A_450 = tpu.memref_slice %arg5[%add3A_448, %dma_wait3A_449] : memref<128x50xi32, #tpu.memory_space<vmem>> -> memref<1x50xi32, #tpu.memory_space<vmem>>
      %dma_wait3A_451 = tpu.memref_squeeze %dma_wait3A_450 : memref<1x50xi32, #tpu.memory_space<vmem>> -> memref<50xi32, #tpu.memory_space<vmem>>
      %dma_wait3A_452 = arith.constant 0 : i32
      %dma_wait3A_453 = arith.constant 0 : i32
      %dma_wait3A_454 = tpu.memref_slice %arg3[%dma_wait3A_452, %dma_wait3A_453] : memref<100000x128xf32, #tpu.memory_space<hbm>> -> memref<100000x128xf32, #tpu.memory_space<hbm>>
      tpu.wait_indirect_dma semaphore(%arg20 : memref<!tpu.dma_semaphore, #tpu.memory_space<semaphore_mem>>) src(%dma_wait3A_454 : memref<100000x128xf32, #tpu.memory_space<hbm>>) dst(%arg11 : memref<50x128xf32, #tpu.memory_space<vmem>>)
      %broadcast_in_dim3A_455 = arith.constant 0.000000e+00 : f32
      %broadcast_in_dim3A_456 = vector.broadcast %broadcast_in_dim3A_455 : f32 to vector<16xf32>
      %broadcast_in_dim3A_457 = arith.constant 0.000000e+00 : f32
      %broadcast_in_dim3A_458 = vector.broadcast %broadcast_in_dim3A_457 : f32 to vector<16xf32>
      %broadcast_in_dim3A_459 = arith.constant 0.000000e+00 : f32
      %broadcast_in_dim3A_460 = vector.broadcast %broadcast_in_dim3A_459 : f32 to vector<16xf32>
      %broadcast_in_dim3A_461 = arith.constant 0.000000e+00 : f32
      %broadcast_in_dim3A_462 = vector.broadcast %broadcast_in_dim3A_461 : f32 to vector<16xf32>
      %broadcast_in_dim3A_463 = arith.constant 0.000000e+00 : f32
      %broadcast_in_dim3A_464 = vector.broadcast %broadcast_in_dim3A_463 : f32 to vector<16xf32>
      %broadcast_in_dim3A_465 = arith.constant 0.000000e+00 : f32
      %broadcast_in_dim3A_466 = vector.broadcast %broadcast_in_dim3A_465 : f32 to vector<16xf32>
      %broadcast_in_dim3A_467 = arith.constant 0.000000e+00 : f32
      %broadcast_in_dim3A_468 = vector.broadcast %broadcast_in_dim3A_467 : f32 to vector<16xf32>
      %broadcast_in_dim3A_469 = arith.constant 0.000000e+00 : f32
      %broadcast_in_dim3A_470 = vector.broadcast %broadcast_in_dim3A_469 : f32 to vector<16xf32>
      %scan3A_471 = arith.constant 0 : i32
      %scan3A_472 = arith.constant 50 : i32
      %scan3A_473 = arith.addi %scan3A_471, %scan3A_472 : i32
      %scan3A_474 = arith.constant 1 : i32
      %scan3A_475:8 = scf.for %scan3A_678 = %scan3A_471 to %scan3A_473 step %scan3A_474 iter_args(%scan3A_679 = %broadcast_in_dim3A_456, %scan3A_680 = %broadcast_in_dim3A_458, %scan3A_681 = %broadcast_in_dim3A_460, %scan3A_682 = %broadcast_in_dim3A_462, %scan3A_683 = %broadcast_in_dim3A_464, %scan3A_684 = %broadcast_in_dim3A_466, %scan3A_685 = %broadcast_in_dim3A_468, %scan3A_686 = %broadcast_in_dim3A_470) -> (vector<16xf32>, vector<16xf32>, vector<16xf32>, vector<16xf32>, vector<16xf32>, vector<16xf32>, vector<16xf32>, vector<16xf32>)  : i32 {
        %mul3A_687 = arith.constant 1 : i32
        %mul3A_688 = arith.muli %scan3A_678, %mul3A_687 : i32
        %add3A_689 = arith.constant 0 : i32
        %add3A_690 = arith.addi %mul3A_688, %add3A_689 : i32
        %get3A = arith.index_cast %add3A_690 : i32 to index
        %get3A_691 = arith.constant 0 : index
        %get3A_692 = tpu.vector_load %arg11[%get3A, %get3A_691] {strides = array<i32>} : memref<50x128xf32, #tpu.memory_space<vmem>>, vector<1x16xf32>,
        %get3A_693 = vector.shape_cast %get3A_692 : vector<1x16xf32> to vector<16xf32>
        %add3A_694 = arith.addf %scan3A_679, %get3A_693 : vector<16xf32>
        %add3A_695 = arith.constant 0 : i32
        %add3A_696 = arith.addi %mul3A_688, %add3A_695 : i32
        %get3A_697 = arith.index_cast %add3A_696 : i32 to index
        %get3A_698 = arith.constant 16 : index
        %get3A_699 = tpu.vector_load %arg11[%get3A_697, %get3A_698] {strides = array<i32>} : memref<50x128xf32, #tpu.memory_space<vmem>>, vector<1x16xf32>,
        %get3A_700 = vector.shape_cast %get3A_699 : vector<1x16xf32> to vector<16xf32>
        %add3A_701 = arith.addf %scan3A_680, %get3A_700 : vector<16xf32>
        %add3A_702 = arith.constant 0 : i32
        %add3A_703 = arith.addi %mul3A_688, %add3A_702 : i32
        %get3A_704 = arith.index_cast %add3A_703 : i32 to index
        %get3A_705 = arith.constant 32 : index
        %get3A_706 = tpu.vector_load %arg11[%get3A_704, %get3A_705] {strides = array<i32>} : memref<50x128xf32, #tpu.memory_space<vmem>>, vector<1x16xf32>,
        %get3A_707 = vector.shape_cast %get3A_706 : vector<1x16xf32> to vector<16xf32>
        %add3A_708 = arith.addf %scan3A_681, %get3A_707 : vector<16xf32>
        %add3A_709 = arith.constant 0 : i32
        %add3A_710 = arith.addi %mul3A_688, %add3A_709 : i32
        %get3A_711 = arith.index_cast %add3A_710 : i32 to index
        %get3A_712 = arith.constant 48 : index
        %get3A_713 = tpu.vector_load %arg11[%get3A_711, %get3A_712] {strides = array<i32>} : memref<50x128xf32, #tpu.memory_space<vmem>>, vector<1x16xf32>,
        %get3A_714 = vector.shape_cast %get3A_713 : vector<1x16xf32> to vector<16xf32>
        %add3A_715 = arith.addf %scan3A_682, %get3A_714 : vector<16xf32>
        %add3A_716 = arith.constant 0 : i32
        %add3A_717 = arith.addi %mul3A_688, %add3A_716 : i32
        %get3A_718 = arith.index_cast %add3A_717 : i32 to index
        %get3A_719 = arith.constant 64 : index
        %get3A_720 = tpu.vector_load %arg11[%get3A_718, %get3A_719] {strides = array<i32>} : memref<50x128xf32, #tpu.memory_space<vmem>>, vector<1x16xf32>,
        %get3A_721 = vector.shape_cast %get3A_720 : vector<1x16xf32> to vector<16xf32>
        %add3A_722 = arith.addf %scan3A_683, %get3A_721 : vector<16xf32>
        %add3A_723 = arith.constant 0 : i32
        %add3A_724 = arith.addi %mul3A_688, %add3A_723 : i32
        %get3A_725 = arith.index_cast %add3A_724 : i32 to index
        %get3A_726 = arith.constant 80 : index
        %get3A_727 = tpu.vector_load %arg11[%get3A_725, %get3A_726] {strides = array<i32>} : memref<50x128xf32, #tpu.memory_space<vmem>>, vector<1x16xf32>,
        %get3A_728 = vector.shape_cast %get3A_727 : vector<1x16xf32> to vector<16xf32>
        %add3A_729 = arith.addf %scan3A_684, %get3A_728 : vector<16xf32>
        %add3A_730 = arith.constant 0 : i32
        %add3A_731 = arith.addi %mul3A_688, %add3A_730 : i32
        %get3A_732 = arith.index_cast %add3A_731 : i32 to index
        %get3A_733 = arith.constant 96 : index
        %get3A_734 = tpu.vector_load %arg11[%get3A_732, %get3A_733] {strides = array<i32>} : memref<50x128xf32, #tpu.memory_space<vmem>>, vector<1x16xf32>,
        %get3A_735 = vector.shape_cast %get3A_734 : vector<1x16xf32> to vector<16xf32>
        %add3A_736 = arith.addf %scan3A_685, %get3A_735 : vector<16xf32>
        %add3A_737 = arith.constant 0 : i32
        %add3A_738 = arith.addi %mul3A_688, %add3A_737 : i32
        %get3A_739 = arith.index_cast %add3A_738 : i32 to index
        %get3A_740 = arith.constant 112 : index
        %get3A_741 = tpu.vector_load %arg11[%get3A_739, %get3A_740] {strides = array<i32>} : memref<50x128xf32, #tpu.memory_space<vmem>>, vector<1x16xf32>,
        %get3A_742 = vector.shape_cast %get3A_741 : vector<1x16xf32> to vector<16xf32>
        %add3A_743 = arith.addf %scan3A_686, %get3A_742 : vector<16xf32>
        scf.yield %add3A_694, %add3A_701, %add3A_708, %add3A_715, %add3A_722, %add3A_729, %add3A_736, %add3A_743 : vector<16xf32>, vector<16xf32>, vector<16xf32>, vector<16xf32>, vector<16xf32>, vector<16xf32>, vector<16xf32>, vector<16xf32>
      }
      %scan3A_476 = arith.constant 50 : i32
      %swap3A_477 = arith.index_cast %add3A_448 : i32 to index
      %swap3A_478 = arith.constant 0 : index
      %swap3A_479 = tpu.vector_load %arg14[%swap3A_477, %swap3A_478] {strides = array<i32>} : memref<128x128xf32, #tpu.memory_space<vmem>>, vector<1x16xf32>,
      %swap3A_480 = vector.shape_cast %swap3A_479 : vector<1x16xf32> to vector<16xf32>
      %swap3A_481 = vector.shape_cast %scan3A_475#0 : vector<16xf32> to vector<1x16xf32>
      tpu.vector_store %arg14[%swap3A_477, %swap3A_478], %swap3A_481 {strides = array<i32>} : memref<128x128xf32, #tpu.memory_space<vmem>>, vector<1x16xf32>,
      %swap3A_482 = arith.index_cast %add3A_448 : i32 to index
      %swap3A_483 = arith.constant 16 : index
      %swap3A_484 = tpu.vector_load %arg14[%swap3A_482, %swap3A_483] {strides = array<i32>} : memref<128x128xf32, #tpu.memory_space<vmem>>, vector<1x16xf32>,
      %swap3A_485 = vector.shape_cast %swap3A_484 : vector<1x16xf32> to vector<16xf32>
      %swap3A_486 = vector.shape_cast %scan3A_475#1 : vector<16xf32> to vector<1x16xf32>
      tpu.vector_store %arg14[%swap3A_482, %swap3A_483], %swap3A_486 {strides = array<i32>} : memref<128x128xf32, #tpu.memory_space<vmem>>, vector<1x16xf32>,
      %swap3A_487 = arith.index_cast %add3A_448 : i32 to index
      %swap3A_488 = arith.constant 32 : index
      %swap3A_489 = tpu.vector_load %arg14[%swap3A_487, %swap3A_488] {strides = array<i32>} : memref<128x128xf32, #tpu.memory_space<vmem>>, vector<1x16xf32>,
      %swap3A_490 = vector.shape_cast %swap3A_489 : vector<1x16xf32> to vector<16xf32>
      %swap3A_491 = vector.shape_cast %scan3A_475#2 : vector<16xf32> to vector<1x16xf32>
      tpu.vector_store %arg14[%swap3A_487, %swap3A_488], %swap3A_491 {strides = array<i32>} : memref<128x128xf32, #tpu.memory_space<vmem>>, vector<1x16xf32>,
      %swap3A_492 = arith.index_cast %add3A_448 : i32 to index
      %swap3A_493 = arith.constant 48 : index
      %swap3A_494 = tpu.vector_load %arg14[%swap3A_492, %swap3A_493] {strides = array<i32>} : memref<128x128xf32, #tpu.memory_space<vmem>>, vector<1x16xf32>,
      %swap3A_495 = vector.shape_cast %swap3A_494 : vector<1x16xf32> to vector<16xf32>
      %swap3A_496 = vector.shape_cast %scan3A_475#3 : vector<16xf32> to vector<1x16xf32>
      tpu.vector_store %arg14[%swap3A_492, %swap3A_493], %swap3A_496 {strides = array<i32>} : memref<128x128xf32, #tpu.memory_space<vmem>>, vector<1x16xf32>,
      %swap3A_497 = arith.index_cast %add3A_448 : i32 to index
      %swap3A_498 = arith.constant 64 : index
      %swap3A_499 = tpu.vector_load %arg14[%swap3A_497, %swap3A_498] {strides = array<i32>} : memref<128x128xf32, #tpu.memory_space<vmem>>, vector<1x16xf32>,
      %swap3A_500 = vector.shape_cast %swap3A_499 : vector<1x16xf32> to vector<16xf32>
      %swap3A_501 = vector.shape_cast %scan3A_475#4 : vector<16xf32> to vector<1x16xf32>
      tpu.vector_store %arg14[%swap3A_497, %swap3A_498], %swap3A_501 {strides = array<i32>} : memref<128x128xf32, #tpu.memory_space<vmem>>, vector<1x16xf32>,
      %swap3A_502 = arith.index_cast %add3A_448 : i32 to index
      %swap3A_503 = arith.constant 80 : index
      %swap3A_504 = tpu.vector_load %arg14[%swap3A_502, %swap3A_503] {strides = array<i32>} : memref<128x128xf32, #tpu.memory_space<vmem>>, vector<1x16xf32>,
      %swap3A_505 = vector.shape_cast %swap3A_504 : vector<1x16xf32> to vector<16xf32>
      %swap3A_506 = vector.shape_cast %scan3A_475#5 : vector<16xf32> to vector<1x16xf32>
      tpu.vector_store %arg14[%swap3A_502, %swap3A_503], %swap3A_506 {strides = array<i32>} : memref<128x128xf32, #tpu.memory_space<vmem>>, vector<1x16xf32>,
      %swap3A_507 = arith.index_cast %add3A_448 : i32 to index
      %swap3A_508 = arith.constant 96 : index
      %swap3A_509 = tpu.vector_load %arg14[%swap3A_507, %swap3A_508] {strides = array<i32>} : memref<128x128xf32, #tpu.memory_space<vmem>>, vector<1x16xf32>,
      %swap3A_510 = vector.shape_cast %swap3A_509 : vector<1x16xf32> to vector<16xf32>
      %swap3A_511 = vector.shape_cast %scan3A_475#6 : vector<16xf32> to vector<1x16xf32>
      tpu.vector_store %arg14[%swap3A_507, %swap3A_508], %swap3A_511 {strides = array<i32>} : memref<128x128xf32, #tpu.memory_space<vmem>>, vector<1x16xf32>,
      %swap3A_512 = arith.index_cast %add3A_448 : i32 to index
      %swap3A_513 = arith.constant 112 : index
      %swap3A_514 = tpu.vector_load %arg14[%swap3A_512, %swap3A_513] {strides = array<i32>} : memref<128x128xf32, #tpu.memory_space<vmem>>, vector<1x16xf32>,
      %swap3A_515 = vector.shape_cast %swap3A_514 : vector<1x16xf32> to vector<16xf32>
      %swap3A_516 = vector.shape_cast %scan3A_475#7 : vector<16xf32> to vector<1x16xf32>
      tpu.vector_store %arg14[%swap3A_512, %swap3A_513], %swap3A_516 {strides = array<i32>} : memref<128x128xf32, #tpu.memory_space<vmem>>, vector<1x16xf32>,
      %add3A_517 = arith.constant 8 : i32
      %add3A_518 = arith.addi %add3A_448, %add3A_517 : i32
      %lt3A_519 = arith.constant 128 : i32
      %lt3A_520 = arith.cmpi slt, %add3A_518, %lt3A_519 : i32
      %convert_element_type3A_521 = arith.extui %lt3A_520 : i1 to i32
      %cond3A_522 = arith.constant 0 : i32
      %cond3A_523 = arith.cmpi ne, %convert_element_type3A_521, %cond3A_522 : i32
      scf.if %cond3A_523 {
        %dma_start3A_678 = arith.constant 0 : i32
        %dma_start3A_679 = tpu.memref_slice %arg5[%add3A_518, %dma_start3A_678] : memref<128x50xi32, #tpu.memory_space<vmem>> -> memref<1x50xi32, #tpu.memory_space<vmem>>
        %dma_start3A_680 = tpu.memref_squeeze %dma_start3A_679 : memref<1x50xi32, #tpu.memory_space<vmem>> -> memref<50xi32, #tpu.memory_space<vmem>>
        %dma_start3A_681 = arith.constant 0 : i32
        %dma_start3A_682 = arith.constant 0 : i32
        %dma_start3A_683 = tpu.memref_slice %arg3[%dma_start3A_681, %dma_start3A_682] : memref<100000x128xf32, #tpu.memory_space<hbm>> -> memref<100000x128xf32, #tpu.memory_space<hbm>>
        tpu.enqueue_indirect_dma source(%dma_start3A_683 : memref<100000x128xf32, #tpu.memory_space<hbm>>) target(%arg11 : memref<50x128xf32, #tpu.memory_space<vmem>>) offsets(%dma_start3A_680 : memref<50xi32, #tpu.memory_space<vmem>>) semaphore(%arg20 : memref<!tpu.dma_semaphore, #tpu.memory_space<semaphore_mem>>)
      } else {
      }
      %add3A_524 = arith.constant 6 : i32
      %add3A_525 = arith.addi %mul3A_67, %add3A_524 : i32
      %dma_wait3A_526 = arith.constant 0 : i32
      %dma_wait3A_527 = tpu.memref_slice %arg5[%add3A_525, %dma_wait3A_526] : memref<128x50xi32, #tpu.memory_space<vmem>> -> memref<1x50xi32, #tpu.memory_space<vmem>>
      %dma_wait3A_528 = tpu.memref_squeeze %dma_wait3A_527 : memref<1x50xi32, #tpu.memory_space<vmem>> -> memref<50xi32, #tpu.memory_space<vmem>>
      %dma_wait3A_529 = arith.constant 0 : i32
      %dma_wait3A_530 = arith.constant 0 : i32
      %dma_wait3A_531 = tpu.memref_slice %arg3[%dma_wait3A_529, %dma_wait3A_530] : memref<100000x128xf32, #tpu.memory_space<hbm>> -> memref<100000x128xf32, #tpu.memory_space<hbm>>
      tpu.wait_indirect_dma semaphore(%arg21 : memref<!tpu.dma_semaphore, #tpu.memory_space<semaphore_mem>>) src(%dma_wait3A_531 : memref<100000x128xf32, #tpu.memory_space<hbm>>) dst(%arg12 : memref<50x128xf32, #tpu.memory_space<vmem>>)
      %broadcast_in_dim3A_532 = arith.constant 0.000000e+00 : f32
      %broadcast_in_dim3A_533 = vector.broadcast %broadcast_in_dim3A_532 : f32 to vector<16xf32>
      %broadcast_in_dim3A_534 = arith.constant 0.000000e+00 : f32
      %broadcast_in_dim3A_535 = vector.broadcast %broadcast_in_dim3A_534 : f32 to vector<16xf32>
      %broadcast_in_dim3A_536 = arith.constant 0.000000e+00 : f32
      %broadcast_in_dim3A_537 = vector.broadcast %broadcast_in_dim3A_536 : f32 to vector<16xf32>
      %broadcast_in_dim3A_538 = arith.constant 0.000000e+00 : f32
      %broadcast_in_dim3A_539 = vector.broadcast %broadcast_in_dim3A_538 : f32 to vector<16xf32>
      %broadcast_in_dim3A_540 = arith.constant 0.000000e+00 : f32
      %broadcast_in_dim3A_541 = vector.broadcast %broadcast_in_dim3A_540 : f32 to vector<16xf32>
      %broadcast_in_dim3A_542 = arith.constant 0.000000e+00 : f32
      %broadcast_in_dim3A_543 = vector.broadcast %broadcast_in_dim3A_542 : f32 to vector<16xf32>
      %broadcast_in_dim3A_544 = arith.constant 0.000000e+00 : f32
      %broadcast_in_dim3A_545 = vector.broadcast %broadcast_in_dim3A_544 : f32 to vector<16xf32>
      %broadcast_in_dim3A_546 = arith.constant 0.000000e+00 : f32
      %broadcast_in_dim3A_547 = vector.broadcast %broadcast_in_dim3A_546 : f32 to vector<16xf32>
      %scan3A_548 = arith.constant 0 : i32
      %scan3A_549 = arith.constant 50 : i32
      %scan3A_550 = arith.addi %scan3A_548, %scan3A_549 : i32
      %scan3A_551 = arith.constant 1 : i32
      %scan3A_552:8 = scf.for %scan3A_678 = %scan3A_548 to %scan3A_550 step %scan3A_551 iter_args(%scan3A_679 = %broadcast_in_dim3A_533, %scan3A_680 = %broadcast_in_dim3A_535, %scan3A_681 = %broadcast_in_dim3A_537, %scan3A_682 = %broadcast_in_dim3A_539, %scan3A_683 = %broadcast_in_dim3A_541, %scan3A_684 = %broadcast_in_dim3A_543, %scan3A_685 = %broadcast_in_dim3A_545, %scan3A_686 = %broadcast_in_dim3A_547) -> (vector<16xf32>, vector<16xf32>, vector<16xf32>, vector<16xf32>, vector<16xf32>, vector<16xf32>, vector<16xf32>, vector<16xf32>)  : i32 {
        %mul3A_687 = arith.constant 1 : i32
        %mul3A_688 = arith.muli %scan3A_678, %mul3A_687 : i32
        %add3A_689 = arith.constant 0 : i32
        %add3A_690 = arith.addi %mul3A_688, %add3A_689 : i32
        %get3A = arith.index_cast %add3A_690 : i32 to index
        %get3A_691 = arith.constant 0 : index
        %get3A_692 = tpu.vector_load %arg12[%get3A, %get3A_691] {strides = array<i32>} : memref<50x128xf32, #tpu.memory_space<vmem>>, vector<1x16xf32>,
        %get3A_693 = vector.shape_cast %get3A_692 : vector<1x16xf32> to vector<16xf32>
        %add3A_694 = arith.addf %scan3A_679, %get3A_693 : vector<16xf32>
        %add3A_695 = arith.constant 0 : i32
        %add3A_696 = arith.addi %mul3A_688, %add3A_695 : i32
        %get3A_697 = arith.index_cast %add3A_696 : i32 to index
        %get3A_698 = arith.constant 16 : index
        %get3A_699 = tpu.vector_load %arg12[%get3A_697, %get3A_698] {strides = array<i32>} : memref<50x128xf32, #tpu.memory_space<vmem>>, vector<1x16xf32>,
        %get3A_700 = vector.shape_cast %get3A_699 : vector<1x16xf32> to vector<16xf32>
        %add3A_701 = arith.addf %scan3A_680, %get3A_700 : vector<16xf32>
        %add3A_702 = arith.constant 0 : i32
        %add3A_703 = arith.addi %mul3A_688, %add3A_702 : i32
        %get3A_704 = arith.index_cast %add3A_703 : i32 to index
        %get3A_705 = arith.constant 32 : index
        %get3A_706 = tpu.vector_load %arg12[%get3A_704, %get3A_705] {strides = array<i32>} : memref<50x128xf32, #tpu.memory_space<vmem>>, vector<1x16xf32>,
        %get3A_707 = vector.shape_cast %get3A_706 : vector<1x16xf32> to vector<16xf32>
        %add3A_708 = arith.addf %scan3A_681, %get3A_707 : vector<16xf32>
        %add3A_709 = arith.constant 0 : i32
        %add3A_710 = arith.addi %mul3A_688, %add3A_709 : i32
        %get3A_711 = arith.index_cast %add3A_710 : i32 to index
        %get3A_712 = arith.constant 48 : index
        %get3A_713 = tpu.vector_load %arg12[%get3A_711, %get3A_712] {strides = array<i32>} : memref<50x128xf32, #tpu.memory_space<vmem>>, vector<1x16xf32>,
        %get3A_714 = vector.shape_cast %get3A_713 : vector<1x16xf32> to vector<16xf32>
        %add3A_715 = arith.addf %scan3A_682, %get3A_714 : vector<16xf32>
        %add3A_716 = arith.constant 0 : i32
        %add3A_717 = arith.addi %mul3A_688, %add3A_716 : i32
        %get3A_718 = arith.index_cast %add3A_717 : i32 to index
        %get3A_719 = arith.constant 64 : index
        %get3A_720 = tpu.vector_load %arg12[%get3A_718, %get3A_719] {strides = array<i32>} : memref<50x128xf32, #tpu.memory_space<vmem>>, vector<1x16xf32>,
        %get3A_721 = vector.shape_cast %get3A_720 : vector<1x16xf32> to vector<16xf32>
        %add3A_722 = arith.addf %scan3A_683, %get3A_721 : vector<16xf32>
        %add3A_723 = arith.constant 0 : i32
        %add3A_724 = arith.addi %mul3A_688, %add3A_723 : i32
        %get3A_725 = arith.index_cast %add3A_724 : i32 to index
        %get3A_726 = arith.constant 80 : index
        %get3A_727 = tpu.vector_load %arg12[%get3A_725, %get3A_726] {strides = array<i32>} : memref<50x128xf32, #tpu.memory_space<vmem>>, vector<1x16xf32>,
        %get3A_728 = vector.shape_cast %get3A_727 : vector<1x16xf32> to vector<16xf32>
        %add3A_729 = arith.addf %scan3A_684, %get3A_728 : vector<16xf32>
        %add3A_730 = arith.constant 0 : i32
        %add3A_731 = arith.addi %mul3A_688, %add3A_730 : i32
        %get3A_732 = arith.index_cast %add3A_731 : i32 to index
        %get3A_733 = arith.constant 96 : index
        %get3A_734 = tpu.vector_load %arg12[%get3A_732, %get3A_733] {strides = array<i32>} : memref<50x128xf32, #tpu.memory_space<vmem>>, vector<1x16xf32>,
        %get3A_735 = vector.shape_cast %get3A_734 : vector<1x16xf32> to vector<16xf32>
        %add3A_736 = arith.addf %scan3A_685, %get3A_735 : vector<16xf32>
        %add3A_737 = arith.constant 0 : i32
        %add3A_738 = arith.addi %mul3A_688, %add3A_737 : i32
        %get3A_739 = arith.index_cast %add3A_738 : i32 to index
        %get3A_740 = arith.constant 112 : index
        %get3A_741 = tpu.vector_load %arg12[%get3A_739, %get3A_740] {strides = array<i32>} : memref<50x128xf32, #tpu.memory_space<vmem>>, vector<1x16xf32>,
        %get3A_742 = vector.shape_cast %get3A_741 : vector<1x16xf32> to vector<16xf32>
        %add3A_743 = arith.addf %scan3A_686, %get3A_742 : vector<16xf32>
        scf.yield %add3A_694, %add3A_701, %add3A_708, %add3A_715, %add3A_722, %add3A_729, %add3A_736, %add3A_743 : vector<16xf32>, vector<16xf32>, vector<16xf32>, vector<16xf32>, vector<16xf32>, vector<16xf32>, vector<16xf32>, vector<16xf32>
      }
      %scan3A_553 = arith.constant 50 : i32
      %swap3A_554 = arith.index_cast %add3A_525 : i32 to index
      %swap3A_555 = arith.constant 0 : index
      %swap3A_556 = tpu.vector_load %arg14[%swap3A_554, %swap3A_555] {strides = array<i32>} : memref<128x128xf32, #tpu.memory_space<vmem>>, vector<1x16xf32>,
      %swap3A_557 = vector.shape_cast %swap3A_556 : vector<1x16xf32> to vector<16xf32>
      %swap3A_558 = vector.shape_cast %scan3A_552#0 : vector<16xf32> to vector<1x16xf32>
      tpu.vector_store %arg14[%swap3A_554, %swap3A_555], %swap3A_558 {strides = array<i32>} : memref<128x128xf32, #tpu.memory_space<vmem>>, vector<1x16xf32>,
      %swap3A_559 = arith.index_cast %add3A_525 : i32 to index
      %swap3A_560 = arith.constant 16 : index
      %swap3A_561 = tpu.vector_load %arg14[%swap3A_559, %swap3A_560] {strides = array<i32>} : memref<128x128xf32, #tpu.memory_space<vmem>>, vector<1x16xf32>,
      %swap3A_562 = vector.shape_cast %swap3A_561 : vector<1x16xf32> to vector<16xf32>
      %swap3A_563 = vector.shape_cast %scan3A_552#1 : vector<16xf32> to vector<1x16xf32>
      tpu.vector_store %arg14[%swap3A_559, %swap3A_560], %swap3A_563 {strides = array<i32>} : memref<128x128xf32, #tpu.memory_space<vmem>>, vector<1x16xf32>,
      %swap3A_564 = arith.index_cast %add3A_525 : i32 to index
      %swap3A_565 = arith.constant 32 : index
      %swap3A_566 = tpu.vector_load %arg14[%swap3A_564, %swap3A_565] {strides = array<i32>} : memref<128x128xf32, #tpu.memory_space<vmem>>, vector<1x16xf32>,
      %swap3A_567 = vector.shape_cast %swap3A_566 : vector<1x16xf32> to vector<16xf32>
      %swap3A_568 = vector.shape_cast %scan3A_552#2 : vector<16xf32> to vector<1x16xf32>
      tpu.vector_store %arg14[%swap3A_564, %swap3A_565], %swap3A_568 {strides = array<i32>} : memref<128x128xf32, #tpu.memory_space<vmem>>, vector<1x16xf32>,
      %swap3A_569 = arith.index_cast %add3A_525 : i32 to index
      %swap3A_570 = arith.constant 48 : index
      %swap3A_571 = tpu.vector_load %arg14[%swap3A_569, %swap3A_570] {strides = array<i32>} : memref<128x128xf32, #tpu.memory_space<vmem>>, vector<1x16xf32>,
      %swap3A_572 = vector.shape_cast %swap3A_571 : vector<1x16xf32> to vector<16xf32>
      %swap3A_573 = vector.shape_cast %scan3A_552#3 : vector<16xf32> to vector<1x16xf32>
      tpu.vector_store %arg14[%swap3A_569, %swap3A_570], %swap3A_573 {strides = array<i32>} : memref<128x128xf32, #tpu.memory_space<vmem>>, vector<1x16xf32>,
      %swap3A_574 = arith.index_cast %add3A_525 : i32 to index
      %swap3A_575 = arith.constant 64 : index
      %swap3A_576 = tpu.vector_load %arg14[%swap3A_574, %swap3A_575] {strides = array<i32>} : memref<128x128xf32, #tpu.memory_space<vmem>>, vector<1x16xf32>,
      %swap3A_577 = vector.shape_cast %swap3A_576 : vector<1x16xf32> to vector<16xf32>
      %swap3A_578 = vector.shape_cast %scan3A_552#4 : vector<16xf32> to vector<1x16xf32>
      tpu.vector_store %arg14[%swap3A_574, %swap3A_575], %swap3A_578 {strides = array<i32>} : memref<128x128xf32, #tpu.memory_space<vmem>>, vector<1x16xf32>,
      %swap3A_579 = arith.index_cast %add3A_525 : i32 to index
      %swap3A_580 = arith.constant 80 : index
      %swap3A_581 = tpu.vector_load %arg14[%swap3A_579, %swap3A_580] {strides = array<i32>} : memref<128x128xf32, #tpu.memory_space<vmem>>, vector<1x16xf32>,
      %swap3A_582 = vector.shape_cast %swap3A_581 : vector<1x16xf32> to vector<16xf32>
      %swap3A_583 = vector.shape_cast %scan3A_552#5 : vector<16xf32> to vector<1x16xf32>
      tpu.vector_store %arg14[%swap3A_579, %swap3A_580], %swap3A_583 {strides = array<i32>} : memref<128x128xf32, #tpu.memory_space<vmem>>, vector<1x16xf32>,
      %swap3A_584 = arith.index_cast %add3A_525 : i32 to index
      %swap3A_585 = arith.constant 96 : index
      %swap3A_586 = tpu.vector_load %arg14[%swap3A_584, %swap3A_585] {strides = array<i32>} : memref<128x128xf32, #tpu.memory_space<vmem>>, vector<1x16xf32>,
      %swap3A_587 = vector.shape_cast %swap3A_586 : vector<1x16xf32> to vector<16xf32>
      %swap3A_588 = vector.shape_cast %scan3A_552#6 : vector<16xf32> to vector<1x16xf32>
      tpu.vector_store %arg14[%swap3A_584, %swap3A_585], %swap3A_588 {strides = array<i32>} : memref<128x128xf32, #tpu.memory_space<vmem>>, vector<1x16xf32>,
      %swap3A_589 = arith.index_cast %add3A_525 : i32 to index
      %swap3A_590 = arith.constant 112 : index
      %swap3A_591 = tpu.vector_load %arg14[%swap3A_589, %swap3A_590] {strides = array<i32>} : memref<128x128xf32, #tpu.memory_space<vmem>>, vector<1x16xf32>,
      %swap3A_592 = vector.shape_cast %swap3A_591 : vector<1x16xf32> to vector<16xf32>
      %swap3A_593 = vector.shape_cast %scan3A_552#7 : vector<16xf32> to vector<1x16xf32>
      tpu.vector_store %arg14[%swap3A_589, %swap3A_590], %swap3A_593 {strides = array<i32>} : memref<128x128xf32, #tpu.memory_space<vmem>>, vector<1x16xf32>,
      %add3A_594 = arith.constant 8 : i32
      %add3A_595 = arith.addi %add3A_525, %add3A_594 : i32
      %lt3A_596 = arith.constant 128 : i32
      %lt3A_597 = arith.cmpi slt, %add3A_595, %lt3A_596 : i32
      %convert_element_type3A_598 = arith.extui %lt3A_597 : i1 to i32
      %cond3A_599 = arith.constant 0 : i32
      %cond3A_600 = arith.cmpi ne, %convert_element_type3A_598, %cond3A_599 : i32
      scf.if %cond3A_600 {
        %dma_start3A_678 = arith.constant 0 : i32
        %dma_start3A_679 = tpu.memref_slice %arg5[%add3A_595, %dma_start3A_678] : memref<128x50xi32, #tpu.memory_space<vmem>> -> memref<1x50xi32, #tpu.memory_space<vmem>>
        %dma_start3A_680 = tpu.memref_squeeze %dma_start3A_679 : memref<1x50xi32, #tpu.memory_space<vmem>> -> memref<50xi32, #tpu.memory_space<vmem>>
        %dma_start3A_681 = arith.constant 0 : i32
        %dma_start3A_682 = arith.constant 0 : i32
        %dma_start3A_683 = tpu.memref_slice %arg3[%dma_start3A_681, %dma_start3A_682] : memref<100000x128xf32, #tpu.memory_space<hbm>> -> memref<100000x128xf32, #tpu.memory_space<hbm>>
        tpu.enqueue_indirect_dma source(%dma_start3A_683 : memref<100000x128xf32, #tpu.memory_space<hbm>>) target(%arg12 : memref<50x128xf32, #tpu.memory_space<vmem>>) offsets(%dma_start3A_680 : memref<50xi32, #tpu.memory_space<vmem>>) semaphore(%arg21 : memref<!tpu.dma_semaphore, #tpu.memory_space<semaphore_mem>>)
      } else {
      }
      %add3A_601 = arith.constant 7 : i32
      %add3A_602 = arith.addi %mul3A_67, %add3A_601 : i32
      %dma_wait3A_603 = arith.constant 0 : i32
      %dma_wait3A_604 = tpu.memref_slice %arg5[%add3A_602, %dma_wait3A_603] : memref<128x50xi32, #tpu.memory_space<vmem>> -> memref<1x50xi32, #tpu.memory_space<vmem>>
      %dma_wait3A_605 = tpu.memref_squeeze %dma_wait3A_604 : memref<1x50xi32, #tpu.memory_space<vmem>> -> memref<50xi32, #tpu.memory_space<vmem>>
      %dma_wait3A_606 = arith.constant 0 : i32
      %dma_wait3A_607 = arith.constant 0 : i32
      %dma_wait3A_608 = tpu.memref_slice %arg3[%dma_wait3A_606, %dma_wait3A_607] : memref<100000x128xf32, #tpu.memory_space<hbm>> -> memref<100000x128xf32, #tpu.memory_space<hbm>>
      tpu.wait_indirect_dma semaphore(%arg22 : memref<!tpu.dma_semaphore, #tpu.memory_space<semaphore_mem>>) src(%dma_wait3A_608 : memref<100000x128xf32, #tpu.memory_space<hbm>>) dst(%arg13 : memref<50x128xf32, #tpu.memory_space<vmem>>)
      %broadcast_in_dim3A_609 = arith.constant 0.000000e+00 : f32
      %broadcast_in_dim3A_610 = vector.broadcast %broadcast_in_dim3A_609 : f32 to vector<16xf32>
      %broadcast_in_dim3A_611 = arith.constant 0.000000e+00 : f32
      %broadcast_in_dim3A_612 = vector.broadcast %broadcast_in_dim3A_611 : f32 to vector<16xf32>
      %broadcast_in_dim3A_613 = arith.constant 0.000000e+00 : f32
      %broadcast_in_dim3A_614 = vector.broadcast %broadcast_in_dim3A_613 : f32 to vector<16xf32>
      %broadcast_in_dim3A_615 = arith.constant 0.000000e+00 : f32
      %broadcast_in_dim3A_616 = vector.broadcast %broadcast_in_dim3A_615 : f32 to vector<16xf32>
      %broadcast_in_dim3A_617 = arith.constant 0.000000e+00 : f32
      %broadcast_in_dim3A_618 = vector.broadcast %broadcast_in_dim3A_617 : f32 to vector<16xf32>
      %broadcast_in_dim3A_619 = arith.constant 0.000000e+00 : f32
      %broadcast_in_dim3A_620 = vector.broadcast %broadcast_in_dim3A_619 : f32 to vector<16xf32>
      %broadcast_in_dim3A_621 = arith.constant 0.000000e+00 : f32
      %broadcast_in_dim3A_622 = vector.broadcast %broadcast_in_dim3A_621 : f32 to vector<16xf32>
      %broadcast_in_dim3A_623 = arith.constant 0.000000e+00 : f32
      %broadcast_in_dim3A_624 = vector.broadcast %broadcast_in_dim3A_623 : f32 to vector<16xf32>
      %scan3A_625 = arith.constant 0 : i32
      %scan3A_626 = arith.constant 50 : i32
      %scan3A_627 = arith.addi %scan3A_625, %scan3A_626 : i32
      %scan3A_628 = arith.constant 1 : i32
      %scan3A_629:8 = scf.for %scan3A_678 = %scan3A_625 to %scan3A_627 step %scan3A_628 iter_args(%scan3A_679 = %broadcast_in_dim3A_610, %scan3A_680 = %broadcast_in_dim3A_612, %scan3A_681 = %broadcast_in_dim3A_614, %scan3A_682 = %broadcast_in_dim3A_616, %scan3A_683 = %broadcast_in_dim3A_618, %scan3A_684 = %broadcast_in_dim3A_620, %scan3A_685 = %broadcast_in_dim3A_622, %scan3A_686 = %broadcast_in_dim3A_624) -> (vector<16xf32>, vector<16xf32>, vector<16xf32>, vector<16xf32>, vector<16xf32>, vector<16xf32>, vector<16xf32>, vector<16xf32>)  : i32 {
        %mul3A_687 = arith.constant 1 : i32
        %mul3A_688 = arith.muli %scan3A_678, %mul3A_687 : i32
        %add3A_689 = arith.constant 0 : i32
        %add3A_690 = arith.addi %mul3A_688, %add3A_689 : i32
        %get3A = arith.index_cast %add3A_690 : i32 to index
        %get3A_691 = arith.constant 0 : index
        %get3A_692 = tpu.vector_load %arg13[%get3A, %get3A_691] {strides = array<i32>} : memref<50x128xf32, #tpu.memory_space<vmem>>, vector<1x16xf32>,
        %get3A_693 = vector.shape_cast %get3A_692 : vector<1x16xf32> to vector<16xf32>
        %add3A_694 = arith.addf %scan3A_679, %get3A_693 : vector<16xf32>
        %add3A_695 = arith.constant 0 : i32
        %add3A_696 = arith.addi %mul3A_688, %add3A_695 : i32
        %get3A_697 = arith.index_cast %add3A_696 : i32 to index
        %get3A_698 = arith.constant 16 : index
        %get3A_699 = tpu.vector_load %arg13[%get3A_697, %get3A_698] {strides = array<i32>} : memref<50x128xf32, #tpu.memory_space<vmem>>, vector<1x16xf32>,
        %get3A_700 = vector.shape_cast %get3A_699 : vector<1x16xf32> to vector<16xf32>
        %add3A_701 = arith.addf %scan3A_680, %get3A_700 : vector<16xf32>
        %add3A_702 = arith.constant 0 : i32
        %add3A_703 = arith.addi %mul3A_688, %add3A_702 : i32
        %get3A_704 = arith.index_cast %add3A_703 : i32 to index
        %get3A_705 = arith.constant 32 : index
        %get3A_706 = tpu.vector_load %arg13[%get3A_704, %get3A_705] {strides = array<i32>} : memref<50x128xf32, #tpu.memory_space<vmem>>, vector<1x16xf32>,
        %get3A_707 = vector.shape_cast %get3A_706 : vector<1x16xf32> to vector<16xf32>
        %add3A_708 = arith.addf %scan3A_681, %get3A_707 : vector<16xf32>
        %add3A_709 = arith.constant 0 : i32
        %add3A_710 = arith.addi %mul3A_688, %add3A_709 : i32
        %get3A_711 = arith.index_cast %add3A_710 : i32 to index
        %get3A_712 = arith.constant 48 : index
        %get3A_713 = tpu.vector_load %arg13[%get3A_711, %get3A_712] {strides = array<i32>} : memref<50x128xf32, #tpu.memory_space<vmem>>, vector<1x16xf32>,
        %get3A_714 = vector.shape_cast %get3A_713 : vector<1x16xf32> to vector<16xf32>
        %add3A_715 = arith.addf %scan3A_682, %get3A_714 : vector<16xf32>
        %add3A_716 = arith.constant 0 : i32
        %add3A_717 = arith.addi %mul3A_688, %add3A_716 : i32
        %get3A_718 = arith.index_cast %add3A_717 : i32 to index
        %get3A_719 = arith.constant 64 : index
        %get3A_720 = tpu.vector_load %arg13[%get3A_718, %get3A_719] {strides = array<i32>} : memref<50x128xf32, #tpu.memory_space<vmem>>, vector<1x16xf32>,
        %get3A_721 = vector.shape_cast %get3A_720 : vector<1x16xf32> to vector<16xf32>
        %add3A_722 = arith.addf %scan3A_683, %get3A_721 : vector<16xf32>
        %add3A_723 = arith.constant 0 : i32
        %add3A_724 = arith.addi %mul3A_688, %add3A_723 : i32
        %get3A_725 = arith.index_cast %add3A_724 : i32 to index
        %get3A_726 = arith.constant 80 : index
        %get3A_727 = tpu.vector_load %arg13[%get3A_725, %get3A_726] {strides = array<i32>} : memref<50x128xf32, #tpu.memory_space<vmem>>, vector<1x16xf32>,
        %get3A_728 = vector.shape_cast %get3A_727 : vector<1x16xf32> to vector<16xf32>
        %add3A_729 = arith.addf %scan3A_684, %get3A_728 : vector<16xf32>
        %add3A_730 = arith.constant 0 : i32
        %add3A_731 = arith.addi %mul3A_688, %add3A_730 : i32
        %get3A_732 = arith.index_cast %add3A_731 : i32 to index
        %get3A_733 = arith.constant 96 : index
        %get3A_734 = tpu.vector_load %arg13[%get3A_732, %get3A_733] {strides = array<i32>} : memref<50x128xf32, #tpu.memory_space<vmem>>, vector<1x16xf32>,
        %get3A_735 = vector.shape_cast %get3A_734 : vector<1x16xf32> to vector<16xf32>
        %add3A_736 = arith.addf %scan3A_685, %get3A_735 : vector<16xf32>
        %add3A_737 = arith.constant 0 : i32
        %add3A_738 = arith.addi %mul3A_688, %add3A_737 : i32
        %get3A_739 = arith.index_cast %add3A_738 : i32 to index
        %get3A_740 = arith.constant 112 : index
        %get3A_741 = tpu.vector_load %arg13[%get3A_739, %get3A_740] {strides = array<i32>} : memref<50x128xf32, #tpu.memory_space<vmem>>, vector<1x16xf32>,
        %get3A_742 = vector.shape_cast %get3A_741 : vector<1x16xf32> to vector<16xf32>
        %add3A_743 = arith.addf %scan3A_686, %get3A_742 : vector<16xf32>
        scf.yield %add3A_694, %add3A_701, %add3A_708, %add3A_715, %add3A_722, %add3A_729, %add3A_736, %add3A_743 : vector<16xf32>, vector<16xf32>, vector<16xf32>, vector<16xf32>, vector<16xf32>, vector<16xf32>, vector<16xf32>, vector<16xf32>
      }
      %scan3A_630 = arith.constant 50 : i32
      %swap3A_631 = arith.index_cast %add3A_602 : i32 to index
      %swap3A_632 = arith.constant 0 : index
      %swap3A_633 = tpu.vector_load %arg14[%swap3A_631, %swap3A_632] {strides = array<i32>} : memref<128x128xf32, #tpu.memory_space<vmem>>, vector<1x16xf32>,
      %swap3A_634 = vector.shape_cast %swap3A_633 : vector<1x16xf32> to vector<16xf32>
      %swap3A_635 = vector.shape_cast %scan3A_629#0 : vector<16xf32> to vector<1x16xf32>
      tpu.vector_store %arg14[%swap3A_631, %swap3A_632], %swap3A_635 {strides = array<i32>} : memref<128x128xf32, #tpu.memory_space<vmem>>, vector<1x16xf32>,
      %swap3A_636 = arith.index_cast %add3A_602 : i32 to index
      %swap3A_637 = arith.constant 16 : index
      %swap3A_638 = tpu.vector_load %arg14[%swap3A_636, %swap3A_637] {strides = array<i32>} : memref<128x128xf32, #tpu.memory_space<vmem>>, vector<1x16xf32>,
      %swap3A_639 = vector.shape_cast %swap3A_638 : vector<1x16xf32> to vector<16xf32>
      %swap3A_640 = vector.shape_cast %scan3A_629#1 : vector<16xf32> to vector<1x16xf32>
      tpu.vector_store %arg14[%swap3A_636, %swap3A_637], %swap3A_640 {strides = array<i32>} : memref<128x128xf32, #tpu.memory_space<vmem>>, vector<1x16xf32>,
      %swap3A_641 = arith.index_cast %add3A_602 : i32 to index
      %swap3A_642 = arith.constant 32 : index
      %swap3A_643 = tpu.vector_load %arg14[%swap3A_641, %swap3A_642] {strides = array<i32>} : memref<128x128xf32, #tpu.memory_space<vmem>>, vector<1x16xf32>,
      %swap3A_644 = vector.shape_cast %swap3A_643 : vector<1x16xf32> to vector<16xf32>
      %swap3A_645 = vector.shape_cast %scan3A_629#2 : vector<16xf32> to vector<1x16xf32>
      tpu.vector_store %arg14[%swap3A_641, %swap3A_642], %swap3A_645 {strides = array<i32>} : memref<128x128xf32, #tpu.memory_space<vmem>>, vector<1x16xf32>,
      %swap3A_646 = arith.index_cast %add3A_602 : i32 to index
      %swap3A_647 = arith.constant 48 : index
      %swap3A_648 = tpu.vector_load %arg14[%swap3A_646, %swap3A_647] {strides = array<i32>} : memref<128x128xf32, #tpu.memory_space<vmem>>, vector<1x16xf32>,
      %swap3A_649 = vector.shape_cast %swap3A_648 : vector<1x16xf32> to vector<16xf32>
      %swap3A_650 = vector.shape_cast %scan3A_629#3 : vector<16xf32> to vector<1x16xf32>
      tpu.vector_store %arg14[%swap3A_646, %swap3A_647], %swap3A_650 {strides = array<i32>} : memref<128x128xf32, #tpu.memory_space<vmem>>, vector<1x16xf32>,
      %swap3A_651 = arith.index_cast %add3A_602 : i32 to index
      %swap3A_652 = arith.constant 64 : index
      %swap3A_653 = tpu.vector_load %arg14[%swap3A_651, %swap3A_652] {strides = array<i32>} : memref<128x128xf32, #tpu.memory_space<vmem>>, vector<1x16xf32>,
      %swap3A_654 = vector.shape_cast %swap3A_653 : vector<1x16xf32> to vector<16xf32>
      %swap3A_655 = vector.shape_cast %scan3A_629#4 : vector<16xf32> to vector<1x16xf32>
      tpu.vector_store %arg14[%swap3A_651, %swap3A_652], %swap3A_655 {strides = array<i32>} : memref<128x128xf32, #tpu.memory_space<vmem>>, vector<1x16xf32>,
      %swap3A_656 = arith.index_cast %add3A_602 : i32 to index
      %swap3A_657 = arith.constant 80 : index
      %swap3A_658 = tpu.vector_load %arg14[%swap3A_656, %swap3A_657] {strides = array<i32>} : memref<128x128xf32, #tpu.memory_space<vmem>>, vector<1x16xf32>,
      %swap3A_659 = vector.shape_cast %swap3A_658 : vector<1x16xf32> to vector<16xf32>
      %swap3A_660 = vector.shape_cast %scan3A_629#5 : vector<16xf32> to vector<1x16xf32>
      tpu.vector_store %arg14[%swap3A_656, %swap3A_657], %swap3A_660 {strides = array<i32>} : memref<128x128xf32, #tpu.memory_space<vmem>>, vector<1x16xf32>,
      %swap3A_661 = arith.index_cast %add3A_602 : i32 to index
      %swap3A_662 = arith.constant 96 : index
      %swap3A_663 = tpu.vector_load %arg14[%swap3A_661, %swap3A_662] {strides = array<i32>} : memref<128x128xf32, #tpu.memory_space<vmem>>, vector<1x16xf32>,
      %swap3A_664 = vector.shape_cast %swap3A_663 : vector<1x16xf32> to vector<16xf32>
      %swap3A_665 = vector.shape_cast %scan3A_629#6 : vector<16xf32> to vector<1x16xf32>
      tpu.vector_store %arg14[%swap3A_661, %swap3A_662], %swap3A_665 {strides = array<i32>} : memref<128x128xf32, #tpu.memory_space<vmem>>, vector<1x16xf32>,
      %swap3A_666 = arith.index_cast %add3A_602 : i32 to index
      %swap3A_667 = arith.constant 112 : index
      %swap3A_668 = tpu.vector_load %arg14[%swap3A_666, %swap3A_667] {strides = array<i32>} : memref<128x128xf32, #tpu.memory_space<vmem>>, vector<1x16xf32>,
      %swap3A_669 = vector.shape_cast %swap3A_668 : vector<1x16xf32> to vector<16xf32>
      %swap3A_670 = vector.shape_cast %scan3A_629#7 : vector<16xf32> to vector<1x16xf32>
      tpu.vector_store %arg14[%swap3A_666, %swap3A_667], %swap3A_670 {strides = array<i32>} : memref<128x128xf32, #tpu.memory_space<vmem>>, vector<1x16xf32>,
      %add3A_671 = arith.constant 8 : i32
      %add3A_672 = arith.addi %add3A_602, %add3A_671 : i32
      %lt3A_673 = arith.constant 128 : i32
      %lt3A_674 = arith.cmpi slt, %add3A_672, %lt3A_673 : i32
      %convert_element_type3A_675 = arith.extui %lt3A_674 : i1 to i32
      %cond3A_676 = arith.constant 0 : i32
      %cond3A_677 = arith.cmpi ne, %convert_element_type3A_675, %cond3A_676 : i32
      scf.if %cond3A_677 {
        %dma_start3A_678 = arith.constant 0 : i32
        %dma_start3A_679 = tpu.memref_slice %arg5[%add3A_672, %dma_start3A_678] : memref<128x50xi32, #tpu.memory_space<vmem>> -> memref<1x50xi32, #tpu.memory_space<vmem>>
        %dma_start3A_680 = tpu.memref_squeeze %dma_start3A_679 : memref<1x50xi32, #tpu.memory_space<vmem>> -> memref<50xi32, #tpu.memory_space<vmem>>
        %dma_start3A_681 = arith.constant 0 : i32
        %dma_start3A_682 = arith.constant 0 : i32
        %dma_start3A_683 = tpu.memref_slice %arg3[%dma_start3A_681, %dma_start3A_682] : memref<100000x128xf32, #tpu.memory_space<hbm>> -> memref<100000x128xf32, #tpu.memory_space<hbm>>
        tpu.enqueue_indirect_dma source(%dma_start3A_683 : memref<100000x128xf32, #tpu.memory_space<hbm>>) target(%arg13 : memref<50x128xf32, #tpu.memory_space<vmem>>) offsets(%dma_start3A_680 : memref<50xi32, #tpu.memory_space<vmem>>) semaphore(%arg22 : memref<!tpu.dma_semaphore, #tpu.memory_space<semaphore_mem>>)
      } else {
      }
    }
    %scan3A_62 = arith.constant 16 : i32
    %mul3A_63 = arith.constant 128 : i32
    %mul3A_64 = arith.muli %add3A, %mul3A_63 : i32
    "tpu.region"() ({
      %run_scoped3A = tpu.sem_alloc : memref<!tpu.dma_semaphore, #tpu.memory_space<semaphore_mem>>
      %dma_start3A_65 = arith.constant 0 : i32
      %dma_start3A_66 = tpu.memref_slice %arg4[%mul3A_64, %dma_start3A_65] : memref<4096x128xf32, #tpu.memory_space<hbm>> -> memref<128x128xf32, #tpu.memory_space<hbm>>
      %dma_start3A_67 = arith.constant 0 : i32
      %dma_start3A_68 = tpu.memref_slice %arg4[%mul3A_64, %dma_start3A_67] : memref<4096x128xf32, #tpu.memory_space<hbm>> -> memref<128x128xf32, #tpu.memory_space<hbm>>
      tpu.enqueue_dma source(%arg14 : memref<128x128xf32, #tpu.memory_space<vmem>>) target(%dma_start3A_68 : memref<128x128xf32, #tpu.memory_space<hbm>>) target_semaphore(%run_scoped3A : memref<!tpu.dma_semaphore, #tpu.memory_space<semaphore_mem>>)
      %dma_wait3A = arith.constant 0 : i32
      %dma_wait3A_69 = tpu.memref_slice %arg4[%mul3A_64, %dma_wait3A] : memref<4096x128xf32, #tpu.memory_space<hbm>> -> memref<128x128xf32, #tpu.memory_space<hbm>>
      %dma_wait3A_70 = arith.constant 0 : i32
      %dma_wait3A_71 = tpu.memref_slice %arg4[%mul3A_64, %dma_wait3A_70] : memref<4096x128xf32, #tpu.memory_space<hbm>> -> memref<128x128xf32, #tpu.memory_space<hbm>>
      tpu.wait_dma2 semaphore(%run_scoped3A : memref<!tpu.dma_semaphore, #tpu.memory_space<semaphore_mem>>) src(%arg14 : memref<128x128xf32, #tpu.memory_space<vmem>>) dst(%dma_wait3A_71 : memref<128x128xf32, #tpu.memory_space<hbm>>)
      tpu.yield
    }) : () -> ()
    return
  }
}

module attributes {stable_mosaic.version = 14 : i64} {
  func.func @_dense_kernel(%arg0: memref<4096x128xf32, #tpu.memory_space<vmem>>, %arg1: memref<128x128xf32, #tpu.memory_space<vmem>>, %arg2: memref<1x128xf32, #tpu.memory_space<vmem>>, %arg3: memref<1x128xf32, #tpu.memory_space<vmem>>, %arg4: memref<1x128xf32, #tpu.memory_space<vmem>>, %arg5: memref<1x128xf32, #tpu.memory_space<vmem>>, %arg6: memref<1x128xf32, #tpu.memory_space<vmem>>, %arg7: memref<4096x128xf32, #tpu.memory_space<vmem>>) attributes {dimension_semantics = [], scalar_prefetch = 0 : i64, scratch_operands = 0 : i64, tpu.core_type = #tpu.core_type<tc>} {
    %get3A = arith.constant 0 : index
    %get3A_0 = arith.constant 0 : index
    %get3A_1 = vector.load %arg0[%get3A, %get3A_0] : memref<4096x128xf32, #tpu.memory_space<vmem>>, vector<4096x128xf32>
    %mul3A = arith.constant 2.000000e-02 : f32
    %mul3A_2 = vector.broadcast %mul3A : f32 to vector<4096x128xf32>
    %mul3A_3 = arith.mulf %get3A_1, %mul3A_2 : vector<4096x128xf32>
    %get3A_4 = arith.constant 0 : index
    %get3A_5 = arith.constant 0 : index
    %get3A_6 = vector.load %arg1[%get3A_4, %get3A_5] : memref<128x128xf32, #tpu.memory_space<vmem>>, vector<128x128xf32>
    %dot_general3A = arith.constant dense<0.000000e+00> : vector<4096x128xf32>
    %dot_general3A_7 = tpu.matmul %mul3A_3, %get3A_6, %dot_general3A {dimension_numbers = #tpu.dot_dimension_numbers<[1], [1], [0], [0], [0, 0, 1, 0], [], []>, precision = #tpu.contract_precision<fp32>, transpose_lhs_hint = false} : vector<4096x128xf32>, vector<128x128xf32>, vector<4096x128xf32> -> vector<4096x128xf32>
    %get3A_8 = arith.constant 0 : index
    %get3A_9 = arith.constant 0 : index
    %get3A_10 = vector.load %arg2[%get3A_8, %get3A_9] : memref<1x128xf32, #tpu.memory_space<vmem>>, vector<1x128xf32>
    %add3A = vector.broadcast %get3A_10 : vector<1x128xf32> to vector<4096x128xf32>
    %add3A_11 = arith.addf %dot_general3A_7, %add3A : vector<4096x128xf32>
    %reduce_sum3A = arith.constant dense<0.000000e+00> : vector<128xf32>
    %reduce_sum3A_12 = vector.multi_reduction <add>, %add3A_11, %reduce_sum3A [0] : vector<4096x128xf32> to vector<128xf32>
    %broadcast_in_dim3A = vector.shape_cast %reduce_sum3A_12 : vector<128xf32> to vector<1x128xf32>
    %div3A = arith.constant 4.096000e+03 : f32
    %div3A_13 = vector.broadcast %div3A : f32 to vector<1x128xf32>
    %div3A_14 = arith.divf %broadcast_in_dim3A, %div3A_13 : vector<1x128xf32>
    %sub3A = vector.broadcast %div3A_14 : vector<1x128xf32> to vector<4096x128xf32>
    %sub3A_15 = arith.subf %add3A_11, %sub3A : vector<4096x128xf32>
    %sub3A_16 = vector.broadcast %div3A_14 : vector<1x128xf32> to vector<4096x128xf32>
    %sub3A_17 = arith.subf %add3A_11, %sub3A_16 : vector<4096x128xf32>
    %mul3A_18 = arith.mulf %sub3A_15, %sub3A_17 : vector<4096x128xf32>
    %reduce_sum3A_19 = arith.constant dense<0.000000e+00> : vector<128xf32>
    %reduce_sum3A_20 = vector.multi_reduction <add>, %mul3A_18, %reduce_sum3A_19 [0] : vector<4096x128xf32> to vector<128xf32>
    %broadcast_in_dim3A_21 = vector.shape_cast %reduce_sum3A_20 : vector<128xf32> to vector<1x128xf32>
    %div3A_22 = arith.constant 4.096000e+03 : f32
    %div3A_23 = vector.broadcast %div3A_22 : f32 to vector<1x128xf32>
    %div3A_24 = arith.divf %broadcast_in_dim3A_21, %div3A_23 : vector<1x128xf32>
    %sub3A_25 = vector.broadcast %div3A_14 : vector<1x128xf32> to vector<4096x128xf32>
    %sub3A_26 = arith.subf %add3A_11, %sub3A_25 : vector<4096x128xf32>
    %add3A_27 = arith.constant 9.99999974E-6 : f32
    %add3A_28 = vector.broadcast %add3A_27 : f32 to vector<1x128xf32>
    %add3A_29 = arith.addf %div3A_24, %add3A_28 : vector<1x128xf32>
    %rsqrt3A = math.rsqrt %add3A_29 : vector<1x128xf32>
    %mul3A_30 = vector.broadcast %rsqrt3A : vector<1x128xf32> to vector<4096x128xf32>
    %mul3A_31 = arith.mulf %sub3A_26, %mul3A_30 : vector<4096x128xf32>
    %get3A_32 = arith.constant 0 : index
    %get3A_33 = arith.constant 0 : index
    %get3A_34 = vector.load %arg3[%get3A_32, %get3A_33] : memref<1x128xf32, #tpu.memory_space<vmem>>, vector<1x128xf32>
    %mul3A_35 = vector.broadcast %get3A_34 : vector<1x128xf32> to vector<4096x128xf32>
    %mul3A_36 = arith.mulf %mul3A_31, %mul3A_35 : vector<4096x128xf32>
    %get3A_37 = arith.constant 0 : index
    %get3A_38 = arith.constant 0 : index
    %get3A_39 = vector.load %arg4[%get3A_37, %get3A_38] : memref<1x128xf32, #tpu.memory_space<vmem>>, vector<1x128xf32>
    %add3A_40 = vector.broadcast %get3A_39 : vector<1x128xf32> to vector<4096x128xf32>
    %add3A_41 = arith.addf %mul3A_36, %add3A_40 : vector<4096x128xf32>
    %reduce_sum3A_42 = arith.constant dense<0.000000e+00> : vector<4096xf32>
    %reduce_sum3A_43 = vector.multi_reduction <add>, %add3A_41, %reduce_sum3A_42 [1] : vector<4096x128xf32> to vector<4096xf32>
    %broadcast_in_dim3A_44 = vector.shape_cast %reduce_sum3A_43 : vector<4096xf32> to vector<4096x1xf32>
    %div3A_45 = arith.constant 1.280000e+02 : f32
    %div3A_46 = vector.broadcast %div3A_45 : f32 to vector<4096x1xf32>
    %div3A_47 = arith.divf %broadcast_in_dim3A_44, %div3A_46 : vector<4096x1xf32>
    %sub3A_48 = vector.broadcast %div3A_47 : vector<4096x1xf32> to vector<4096x128xf32>
    %sub3A_49 = arith.subf %add3A_41, %sub3A_48 : vector<4096x128xf32>
    %sub3A_50 = vector.broadcast %div3A_47 : vector<4096x1xf32> to vector<4096x128xf32>
    %sub3A_51 = arith.subf %add3A_41, %sub3A_50 : vector<4096x128xf32>
    %mul3A_52 = arith.mulf %sub3A_49, %sub3A_51 : vector<4096x128xf32>
    %reduce_sum3A_53 = arith.constant dense<0.000000e+00> : vector<4096xf32>
    %reduce_sum3A_54 = vector.multi_reduction <add>, %mul3A_52, %reduce_sum3A_53 [1] : vector<4096x128xf32> to vector<4096xf32>
    %broadcast_in_dim3A_55 = vector.shape_cast %reduce_sum3A_54 : vector<4096xf32> to vector<4096x1xf32>
    %div3A_56 = arith.constant 1.280000e+02 : f32
    %div3A_57 = vector.broadcast %div3A_56 : f32 to vector<4096x1xf32>
    %div3A_58 = arith.divf %broadcast_in_dim3A_55, %div3A_57 : vector<4096x1xf32>
    %sub3A_59 = vector.broadcast %div3A_47 : vector<4096x1xf32> to vector<4096x128xf32>
    %sub3A_60 = arith.subf %add3A_41, %sub3A_59 : vector<4096x128xf32>
    %add3A_61 = arith.constant 9.99999974E-6 : f32
    %add3A_62 = vector.broadcast %add3A_61 : f32 to vector<4096x1xf32>
    %add3A_63 = arith.addf %div3A_58, %add3A_62 : vector<4096x1xf32>
    %rsqrt3A_64 = math.rsqrt %add3A_63 : vector<4096x1xf32>
    %mul3A_65 = vector.broadcast %rsqrt3A_64 : vector<4096x1xf32> to vector<4096x128xf32>
    %mul3A_66 = arith.mulf %sub3A_60, %mul3A_65 : vector<4096x128xf32>
    %get3A_67 = arith.constant 0 : index
    %get3A_68 = arith.constant 0 : index
    %get3A_69 = vector.load %arg5[%get3A_67, %get3A_68] : memref<1x128xf32, #tpu.memory_space<vmem>>, vector<1x128xf32>
    %mul3A_70 = vector.broadcast %get3A_69 : vector<1x128xf32> to vector<4096x128xf32>
    %mul3A_71 = arith.mulf %mul3A_66, %mul3A_70 : vector<4096x128xf32>
    %get3A_72 = arith.constant 0 : index
    %get3A_73 = arith.constant 0 : index
    %get3A_74 = vector.load %arg6[%get3A_72, %get3A_73] : memref<1x128xf32, #tpu.memory_space<vmem>>, vector<1x128xf32>
    %add3A_75 = vector.broadcast %get3A_74 : vector<1x128xf32> to vector<4096x128xf32>
    %add3A_76 = arith.addf %mul3A_71, %add3A_75 : vector<4096x128xf32>
    %swap3A = arith.constant 0 : index
    %swap3A_77 = arith.constant 0 : index
    %swap3A_78 = vector.load %arg7[%swap3A, %swap3A_77] : memref<4096x128xf32, #tpu.memory_space<vmem>>, vector<4096x128xf32>
    tpu.vector_store %arg7[%swap3A, %swap3A_77], %add3A_76 {strides = array<i32>} : memref<4096x128xf32, #tpu.memory_space<vmem>>, vector<4096x128xf32>,
    return
  }
}

</mosaic_0001>

<sc_bundles>
// kernel: kernel.4.cloned.1.call-start
scs
__scs_entry_jumppad:
0x0: {  	(pc) =	sbr.rel $0x88, $3  }
0x1: {  	(tag) =	ssettag $0x0;
	lr =	simm.s32 $0x1  }
0x2: {  	[smem:$0x3F99] =	sst lr;
	_ =	strace $0xD0000000  }
0x3: {  	_ = 	snop  }
0x4: {  	_ = 	snop  }
0x5: {  	_ = 	snop  }
0x6: {  	_ = 	snop  }
0x7: {  	_ = 	snop  }
__scs_overlays_trampoline_lowered:
0x8: {  	[smem:$0x3FA8] =	sst s0  }
0x9: {  	[smem:$0x3FA9] =	sst s1  }
0xa: {  	[smem:$0x3FAA] =	sst s2  }
0xb: {  	[smem:$0x3FAB] =	sst s3  }
0xc: {  	[smem:$0x3FAC] =	sst s4  }
0xd: {  	[smem:$0x3FAD] =	sst s5  }
0xe: {  	[smem:$0x3FAE] =	sst s6  }
0xf: {  	[smem:$0x3FAF] =	sst s7  }
0x10: {  	[smem:$0x3FB0] =	sst s8  }
0x11: {  	[smem:$0x3FB1] =	sst s9;
	s0 =	simm.s32 @!p0 $0x0  }
0x12: {  	s1 =	sld [smem:$0x3F97];
	s0 =	simm.s32 @p0 $0x1  }
0x13: {  	[smem:$0x3FB2] =	sst s0;
	s0 =	simm.s32 @!p1 $0x0  }
0x14: {  	s2 =	sld [smem:$0x3F96];
	s0 =	simm.s32 @p1 $0x1  }
0x15: {  	[smem:$0x3FB3] =	sst s0;
	s0 =	simm.s32 @!p2 $0x0  }
0x16: {  	s3 =	sld [smem:$0x3FDB];
	s0 =	simm.s32 @p2 $0x1  }
0x17: {  	s4 =	simm.s32 $0x1BF5;
	[smem:$0x3FB5] =	sst s0  }
0x18: {  	s0 =	sld [smem:$0x3F98];
	_ =	swait.ge [sflag:s4], $0x0  }
0x19: {  	s7 =	sld [smem:$0x3F99]  }
0x1a: {  	s8 =	sadd.s32 $0xFFFFE003, lr  }
0x1b: {  	s9 =	sadd.s32 $0xFFFFFEF7, lr;
	s5 =	simm.s32 $0xFFFFFFFF;
	p2 =	slt.u32 s8, $0xFFFFF086  }
0x1c: {  	p1 =	slt.u32 s9, $0xF7A;
	s5 =	simm.s32 @!p2 $0x0  }
0x1d: {  	s5 =	simm.s32 @p1 $0x1;
	p0 =	seq.s32 s7, s2  }
0x1e: {  	s7 =	smul.u32 @!p0 $0xF7A, s2;
	p2 =	seq.s32 @!p0 s5, $0x0  }
0x1f: {  	s9 =	smul.u32 $0xF7A, s1;
	s8 =	simm.s32 @!p0 $0x1BF5;
	p2 =	por !p2, p0  }
0x20: {  	[sflag:s8] =	ssyncset.s32 @!p0 $0xFFFFF086;
	s6 =	sadd.s32 @!p0 s3, s7;
	s7 =	simm.s32 @!p0 $0x108  }
0x21: {  	s3 =	sadd.s32 s3, s9;
	s6 =	sadd.s32 @!p0 $0x88, s6;
	s7 =	simm.s32 @p2 $0x1082  }
0x22: {  	[simem:s7], [sflag:s8] =	dma.local @!p0 [hbm:s6], $0xF7A  }
0x23: {  	s9 =	sor.u32 $0xD0000000, s2;
	s6 =	simm.s32 $0x108;
	_ =	swait.ge @!p0 [sflag:s8], $0x0  }
0x24: {  	s3 =	sadd.s32 $0x88, s3;
	s6 =	simm.s32 @!p1 $0x1082;
	[sflag:s4] =	ssyncset.s32 $0xFFFFF086  }
0x25: {  	[simem:s6], [sflag:s4] =	dma.local [hbm:s3], $0xF7A  }
0x26: {  	[smem:$0x3F99] =	sst s1;
	(tag) =	ssettag s2;
	_ =	strace s9  }
0x27: {  	s1 =	sld [smem:$0x3FA9]  }
0x28: {  	s2 =	sld [smem:$0x3FAA]  }
0x29: {  	s4 =	sld [smem:$0x3FAC]  }
0x2a: {  	p0 =	seq.s32 s5, $0x0;
	s5 =	sld [smem:$0x3FAD]  }
0x2b: {  	s6 =	sld [smem:$0x3FAE]  }
0x2c: {  	s7 =	sld [smem:$0x3FAF]  }
0x2d: {  	s3 =	simm.s32 $0x108;
	s8 =	sld [smem:$0x3FB0]  }
0x2e: {  	s3 =	simm.s32 @!p0 $0x1082;
	s9 =	sld [smem:$0x3FB1]  }
0x2f: {  	lr =	sadd.s32 s0, s3;
	s0 =	sld [smem:$0x3FA8]  }
0x30: {  	s3 =	sld [smem:$0x3FAB]  }
0x31: {  	[smem:$0x3FB4] =	sst s10  }
0x32: {  	s10 =	sld [smem:$0x3FB2];
	_ =	sdelay $0x3  }
0x33: {  	p0 =	seq.s32 s10, $0x1;
	s10 =	sld [smem:$0x3FB4];
	_ =	sdelay $0x3  }
0x34: {  	[smem:$0x3FB4] =	sst s10  }
0x35: {  	s10 =	sld [smem:$0x3FB3];
	_ =	sdelay $0x3  }
0x36: {  	p1 =	seq.s32 s10, $0x1;
	s10 =	sld [smem:$0x3FB4];
	_ =	sdelay $0x3  }
0x37: {  	[smem:$0x3FB4] =	sst s10  }
0x38: {  	s10 =	sld [smem:$0x3FB5]  }
0x39: {  	_ = 	snop;
	(pc) =	sbr.ind lr, $3  }
0x3a: {  	_ = 	snop  }
0x3b: {  	_ = 	snop  }
0x3c: {  	p2 =	seq.s32 s10, $0x1;
	s10 =	sld [smem:$0x3FB4]  }
0x3d: {  	_ =	shalt  }
0x3e: {  	_ =	shalt  }
0x3f: {  	_ =	shalt  }
0x40: {  	_ =	shalt  }
0x41: {  	_ =	shalt  }
0x42: {  	_ =	shalt  }
0x43: {  	_ =	shalt  }
0x44: {  	_ =	shalt  }
0x45: {  	_ =	shalt  }
0x46: {  	_ =	shalt  }
0x47: {  	_ =	shalt  }
0x48: {  	_ =	shalt  }
0x49: {  	_ =	shalt  }
0x4a: {  	_ =	shalt  }
0x4b: {  	_ =	shalt  }
0x4c: {  	_ =	shalt  }
0x4d: {  	_ =	shalt  }
0x4e: {  	_ =	shalt  }
0x4f: {  	_ =	shalt  }
0x50: {  	_ =	shalt  }
0x51: {  	_ =	shalt  }
0x52: {  	_ =	shalt  }
0x53: {  	_ =	shalt  }
0x54: {  	_ =	shalt  }
0x55: {  	_ =	shalt  }
0x56: {  	_ =	shalt  }
0x57: {  	_ =	shalt  }
0x58: {  	_ =	shalt  }
0x59: {  	_ =	shalt  }
0x5a: {  	_ =	shalt  }
0x5b: {  	_ =	shalt  }
0x5c: {  	_ =	shalt  }
0x5d: {  	_ =	shalt  }
0x5e: {  	_ =	shalt  }
0x5f: {  	_ =	shalt  }
0x60: {  	_ =	shalt  }
0x61: {  	_ =	shalt  }
0x62: {  	_ =	shalt  }
0x63: {  	_ =	shalt  }
0x64: {  	_ =	shalt  }
0x65: {  	_ =	shalt  }
0x66: {  	_ =	shalt  }
0x67: {  	_ =	shalt  }
0x68: {  	_ =	shalt  }
0x69: {  	_ =	shalt  }
0x6a: {  	_ =	shalt  }
0x6b: {  	_ =	shalt  }
0x6c: {  	_ =	shalt  }
0x6d: {  	_ =	shalt  }
0x6e: {  	_ =	shalt  }
0x6f: {  	_ =	shalt  }
0x70: {  	_ =	shalt  }
0x71: {  	_ =	shalt  }
0x72: {  	_ =	shalt  }
0x73: {  	_ =	shalt  }
0x74: {  	_ =	shalt  }
0x75: {  	_ =	shalt  }
0x76: {  	_ =	shalt  }
0x77: {  	_ =	shalt  }
0x78: {  	_ =	shalt  }
0x79: {  	_ =	shalt  }
0x7a: {  	_ =	shalt  }
0x7b: {  	_ =	shalt  }
0x7c: {  	_ =	shalt  }
0x7d: {  	_ =	shalt  }
0x7e: {  	_ =	shalt  }
0x7f: {  	_ =	shalt  }
0x80: {  	_ =	shalt  }
0x81: {  	_ =	shalt  }
0x82: {  	_ =	shalt  }
0x83: {  	_ =	shalt  }
0x84: {  	_ =	shalt  }
0x85: {  	_ =	shalt  }
0x86: {  	_ =	shalt  }
0x87: {  	_ =	shalt  }
.Lfunc_end0:
.L_simem_size_0:
called_computation_lowered:
.L_overlay_start_0:
0x88: {  	s2 =	sld [smem:$0x3FD9]  }
0x89: {  	s3 =	sld [smem:$0x3FFE];
	_ =	sdelay $0x1  }
0x8a: {  	s1 =	srdreg.scid  }
0x8b: {  	s0 =	sand.u32 $0x1, s1  }
0x8c: {  	s17 =	sshll.u32 s0, $0xA;
	s2 =	sadd.s32 s3, s2  }
0x8d: {  	s2 =	sadd.s32 s2, s17  }
0x8e: {  	[smem:$0x3FC0] =	sst s2  }
0x8f: {  	_ = 	snop  }
0x90: {  	s2 =	sld [smem:$0x3FC8]  }
0x91: {  	s18 =	sld [smem:$0x3FD0];
	(tm) =	ssettm $0x1  }
0x92: {  	s4 =	sld [smem:$0x3FFB];
	_ =	sdelay $0x3  }
0x93: {  	_ =	strace s4  }
0x94: {  	s4 =	sld [smem:$0x3FFC];
	_ =	sdelay $0x3  }
0x95: {  	_ =	strace s4  }
0x96: {  	s4 =	sld [smem:$0x3FFD];
	_ =	sdelay $0x3  }
0x97: {  	_ =	strace s4  }
0x98: {  	_ =	strace $0x8FFFFFFF  }
0x99: {  	s19 =	sld [smem:$0x3FDB];
	_ =	sdelay $0x1  }
0x9a: {  	s5 =	simm.s32 $_scs_section_size  }
0x9b: {  	s6 =	simm.s32 $_size__tile_overlayer_lowered;
	s7 =	simm.s32 $_tile_overlayer_lowered  }
0x9c: {  	s22 =	simm.s32 $0x1BFF;
	s21 =	sshll.u32 s7, $0x1;
	s4 =	sadd.s32 s5, s19  }
0x9d: {  	s8 =	simm.s32 $0x0;
	s20 =	sshll.u32 s6, $0x1;
	s6 =	sadd.s32 s21, s4  }
0x9e: {  	[timem:s8], [sflag:s22] =	dma.local [hbm:s6], s20  }
0x9f: {  	_ =	swait.ge [sflag:s22], s20  }
0xa0: {  	s5 =	ssub.s32 $0x0, s20;
	[sflag:s22] =	ssyncset.done $0x0  }
0xa1: {  	[sflag:s22] =	ssyncadd.s32 s5;
	_ =	sdelay $0x1  }
0xa2: {  	s23 =	simm.s32 $0x1B8B  }
0xa3: {  	_ =	swait.ge [sflag:s23], $0x1  }
0xa4: {  	[sflag:s23] =	ssyncset.done $0x0  }
0xa5: {  	s25 =	simm.s32 $0x1B8E;
	s24 =	sld [smem:$0x3FFE];
	[sflag:s23] =	ssyncadd.s32 $0xFFFFFFFF  }
0xa6: {  	s26 =	simm.s32 $execute0_lowered;
	[smem:$0x3FD2] =	sst s25  }
0xa7: {  	s6 =	sshll.u32 s26, $0x1;
	_ =	strace $0x80000046;
	[dreg:$0x1] =	wrdreg $0xFFFFFFFF  }
0xa8: {  	s28 =	simm.s32 $_size_execute0_lowered;
	s4 =	sadd.s32 s4, s6;
	[dreg:$0x0] =	wrdreg $0x0  }
0xa9: {  	s6 =	sshll.u32 s28, $0x1;
	[dreg:$0x2] =	wrdreg s4  }
0xaa: {  	[dreg:$0x3] =	wrdreg s6  }
0xab: {  	[dreg:$0x4] =	wrdreg $0xC0  }
0xac: {  	_ =	task [dreg:s8], $0x5FFFF  }
0xad: {  	[dreg:$0x1] =	wrdreg $0xFFFFFFFF  }
0xae: {  	[dreg:$0x0] =	wrdreg $0x60  }
0xaf: {  	[dreg:$0x2] =	wrdreg s18  }
0xb0: {  	[dreg:$0x3] =	wrdreg s2  }
0xb1: {  	[dreg:$0x4] =	wrdreg s24  }
0xb2: {  	[dreg:$0x5] =	wrdreg $0x9  }
0xb3: {  	_ =	task.clear_ibuf [dreg:s8], $0x6FFFF;
	_ =	strace $0x90000046  }
0xb4: {  	s29 =	simm.s32 $0x9;
	_ =	strace $0x80000048  }
0xb5: {  	_ =	swait.ge [sflag:s29], $0x1  }
0xb6: {  	[sflag:s29] =	ssyncadd.s32 $0xFFFFFFFF  }
0xb7: {  	_ =	strace $0x90000048  }
0xb8: {  	_ =	sfence  }
0xb9: {  	s30 =	sld [smem:$0x0];
	_ =	sdelay $0x2  }
0xba: {  	s31 =	sshll.u32 s1, $0xD;
	s1 =	sshrl.u32 s1, $0x2  }
0xbb: {  	s3 =	sand.u32 $0x4000, s31;
	s1 =	sadd.s32 s1, s30  }
0xbc: {  	s0 =	sor.u32 s3, s0;
	s1 =	sshll.u32 s1, $0x11  }
0xbd: {  	s0 =	sor.u32 s1, s0  }
0xbe: {  	s0 =	sadd.s32 $0x8F2B, s0  }
0xbf: {  	[sflag:s0] =	ssyncadd.remote.s32 $0x1  }
0xc0: {  	_ =	sfence.sel $0xFFFF  }
0xc1: {  	[dreg:$0x0] =	wrdreg $0xFFFFFFFF;
	(pc) =	sbr.abs _section_cstart, $3  }
0xc2: {  	[dreg:$0x1] =	wrdreg $0xFFFFFFFF  }
0xc3: {  	_ =	task.clear_ibuf [dreg:s8], $0x2FFFF;
	_ =	strace $0x9FFFFFFF  }
0xc4: {  	(tm) =	ssettm $0x7FFFFFFF  }
0xc5: {  	_ =	shalt  }
tec
execute0_lowered:
.L_overlay_start_1:
0x0: {  	(tag) =	ssettag $0x1  }
0x1: {  	s0 =	rddreg [dreg:$0x0]  }
0x2: {  	s1 =	rddreg [dreg:$0x1]  }
0x3: {  	s2 =	rddreg [dreg:$0x2];
	s4 =	srdreg.scid  }
0x4: {  	s3 =	simm.s32 $0x0;
	s5 =	stileid.u32;
	s7 =	simm.s32 $0x9  }
0x5: {  	s8 =	simm.s32 $0x32;
	s16 =	simm.s32 $0x200;
	s17 =	simm.s32 $0xB000  }
0x6: {  	s18 =	simm.s32 $0x280;
	s19 =	simm.s32 $0xCC00;
	s20 =	simm.s32 $0x300  }
0x7: {  	s21 =	simm.s32 $0xE800;
	s22 =	simm.s32 $0x380;
	s23 =	simm.s32 $0x10400  }
0x8: {  	s24 =	simm.s32 $0x1;
	s25 =	simm.s32 $0x2;
	s28 =	simm.s32 $0x4  }
0x9: {  	s29 =	simm.s32 $0x5;
	s30 =	simm.s32 $0x6;
	s31 =	simm.s32 $0x7  }
0xa: {  	s9 =	simm.s32 $0x0;
	s4 =	sand.u32 $0x1, s4;
	s5 =	sshll.u32 s5, $0xC  }
.Ltmp0:
0xb: {  	s6 =	sshll.u32 s4, $0xB;
	s4 =	ssub.s32 $0x2, s4;
	(pc) =	sbr.rel .LBB2_1-.Ltmp0, $4  }
0xc: {  	[smem:$0x7FF] =	sst s3;
	s5 =	sor.u32 s6, s5;
	s26 =	sshrl.u32 s4, $0x1  }
0xd: {  	_ =	strace $0x80000047;
	s2 =	sadd.s32 s5, s2;
	s6 =	ssub.s32 s4, s26  }
0xe: {  	s4 =	sadd.s32 s0, s5;
	s26 =	simm.s32 $0x3;
	s0 =	simm.s32 $0x8  }
0xf: {  	s5 =	sadd.s32 $0x1200, s2;
	s6 =	smax.u32 s6, $0x1;
	s2 =	simm.s32 $0x12000  }
.LBB2_20:
0x10: {  	s9 =	sadd.s32 $0x1, s9  }
0x11: {  	p0 =	sne.s32 s9, s6  }
.Ltmp1:
0x12: {  	_ = 	snop;
	(pc) =	sbr.rel @!p0 .LBB2_21-.Ltmp1, $4  }
0x13: {  	[hbm4b:s5+s3] =	stream.linear.scatter [tilespmem:s2], [sflag:$0x9], $0x4000, $0x38;
	[tilespmem:$0x16000] =	vst v63  }
0x14: {  	_ =	swait.ge [sflag:s7], $0x4000  }
0x15: {  	[sflag:s7] =	ssyncset.done $0x0  }
0x16: {  	[sflag:s7] =	ssyncadd.s32 $0xFFFFC000  }
.LBB2_1:
0x17: {  	[tilespmem:s3], [sflag:$0x9] =	stream.linear.gather [hbm4b:s4+s3], $0x4000, $0x38;
	[tilespmem:$0x16000] =	vst v63  }
0x18: {  	_ =	swait.ge [sflag:s7], $0x4000  }
0x19: {  	[sflag:s7] =	ssyncset.done $0x0  }
0x1a: {  	s10 =	simm.s32 $0x4000;
	[sflag:s7] =	ssyncadd.s32 $0xFFFFC000  }
0x1b: {  	[tilespmem:s10], [sflag:$0x1] =	stream.indirect.gather [hbm4b:s1+s8], $0x80, s3, s8, $0xb8;
	[tilespmem:$0x16000] =	vst v63  }
0x1c: {  	s15 =	simm.s32 $0x80;
	s11 =	simm.s32 $0x5C00  }
0x1d: {  	[tilespmem:s11], [sflag:$0x2] =	stream.indirect.gather [hbm4b:s1+s8], $0x80, s15, s8, $0xb8;
	[tilespmem:$0x16000] =	vst v63  }
0x1e: {  	s12 =	simm.s32 $0x100;
	s13 =	simm.s32 $0x7800  }
0x1f: {  	[tilespmem:s13], [sflag:$0x3] =	stream.indirect.gather [hbm4b:s1+s8], $0x80, s12, s8, $0xb8;
	[tilespmem:$0x16000] =	vst v63  }
0x20: {  	s14 =	simm.s32 $0x180;
	s15 =	simm.s32 $0x9400  }
0x21: {  	[tilespmem:s15], [sflag:$0x4] =	stream.indirect.gather [hbm4b:s1+s8], $0x80, s14, s8, $0xb8;
	[tilespmem:$0x16000] =	vst v63  }
0x22: {  	_ = 	snop  }
0x23: {  	[tilespmem:s17], [sflag:$0x5] =	stream.indirect.gather [hbm4b:s1+s8], $0x80, s16, s8, $0xb8;
	[tilespmem:$0x16000] =	vst v63  }
0x24: {  	_ = 	snop  }
0x25: {  	[tilespmem:s19], [sflag:$0x6] =	stream.indirect.gather [hbm4b:s1+s8], $0x80, s18, s8, $0xb8;
	[tilespmem:$0x16000] =	vst v63  }
0x26: {  	_ = 	snop  }
0x27: {  	[tilespmem:s21], [sflag:$0x7] =	stream.indirect.gather [hbm4b:s1+s8], $0x80, s20, s8, $0xb8;
	[tilespmem:$0x16000] =	vst v63  }
0x28: {  	s10 =	simm.s32 $0x0  }
0x29: {  	[tilespmem:s23], [sflag:$0x8] =	stream.indirect.gather [hbm4b:s1+s8], $0x80, s22, s8, $0xb8;
	[tilespmem:$0x16000] =	vst v63  }
.LBB2_2:
0x2a: {  	_ =	swait.ge [sflag:s24], $0x1900  }
0x2b: {  	[sflag:s24] =	ssyncset.done $0x0  }
0x2c: {  	s13 =	simm.s32 $0x0;
	[sflag:s24] =	ssyncadd.s32 $0xFFFFE700  }
0x2d: {  	v0 =	vld [tilespmem:s13+$0x4070]  }
0x2e: {  	v1 =	vld [tilespmem:s13+$0x4000]  }
0x2f: {  	v3 =	vld [tilespmem:s13+$0x4010]  }
0x30: {  	v12 =	vld [tilespmem:s13+$0x4020]  }
0x31: {  	v10 =	vld [tilespmem:s13+$0x4030]  }
0x32: {  	v2 =	vimm.f32 $0.0e+00;
	v6 =	vimm.f32 $0.0e+00;
	v5 =	vld [tilespmem:s13+$0x4040]  }
0x33: {  	v7 =	vimm.f32 $0.0e+00;
	v8 =	vld [tilespmem:s13+$0x4050];
	v0 =	vadd.f32 v0, v2;
	v9 =	vadd.f32 v1, v2  }
0x34: {  	s11 =	simm.s32 $0x80;
	s12 =	simm.s32 $0x400;
	v11 =	vld [tilespmem:s13+$0x4060];
	v4 =	vadd.f32 v3, v2;
	v3 =	vimm.f32 $0.0e+00;
	v1 =	vimm.f32 $0.0e+00  }
.LBB2_3:
0x35: {  	p0 =	sne.s32 s12, $0x6200;
	v13 =	vld [tilespmem:s11+$0x4070];
	v2 =	vadd.f32 v12, v2  }
0x36: {  	v14 =	vld [tilespmem:s11+$0x4000];
	v6 =	vadd.f32 v10, v6  }
0x37: {  	v15 =	vld [tilespmem:s11+$0x4010];
	v7 =	vadd.f32 v5, v7  }
.Ltmp2:
0x38: {  	v12 =	vld [tilespmem:s11+$0x4020];
	v3 =	vadd.f32 v8, v3;
	(pc) =	sbr.rel @p0 .LBB2_3-.Ltmp2, $4  }
0x39: {  	v10 =	vld [tilespmem:s11+$0x4030];
	v1 =	vadd.f32 v11, v1  }
0x3a: {  	v5 =	vld [tilespmem:s11+$0x4040];
	v0 =	vadd.f32 v13, v0  }
0x3b: {  	v9 =	vadd.f32 v14, v9;
	v8 =	vld [tilespmem:s11+$0x4050]  }
0x3c: {  	v4 =	vadd.f32 v15, v4;
	v11 =	vld [tilespmem:s11+$0x4060];
	s11 =	sshra.s32 s12, $0x2;
	s12 =	sadd.s32 $0x200, s12  }
0x3d: {  	v13 =	vld [tilespmem:s11+$0x4070]  }
0x3e: {  	v14 =	vld [tilespmem:s11+$0x4000]  }
0x3f: {  	v15 =	vld [tilespmem:s11+$0x4010]  }
0x40: {  	v16 =	vld [tilespmem:s11+$0x4020]  }
0x41: {  	v17 =	vld [tilespmem:s11+$0x4030]  }
0x42: {  	v18 =	vld [tilespmem:s11+$0x4040];
	v2 =	vadd.f32 v12, v2  }
0x43: {  	s12 =	sshll.u32 s10, $0xC;
	v6 =	vadd.f32 v10, v6;
	v10 =	vld [tilespmem:s11+$0x4060];
	v9 =	vadd.f32 v14, v9  }
0x44: {  	v12 =	vld [tilespmem:s11+$0x4050];
	s11 =	sshrl.u32 s12, $0x2;
	v4 =	vadd.f32 v15, v4  }
0x45: {  	v2 =	vadd.f32 v16, v2;
	[tilespmem:s11+$0x12000] =	vst v9  }
0x46: {  	v1 =	vadd.f32 v11, v1;
	v6 =	vadd.f32 v17, v6;
	[tilespmem:s11+$0x12010] =	vst v4  }
0x47: {  	v5 =	vadd.f32 v5, v7;
	v0 =	vadd.f32 v13, v0;
	[tilespmem:s11+$0x12020] =	vst v2  }
0x48: {  	v3 =	vadd.f32 v8, v3;
	v1 =	vadd.f32 v10, v1;
	[tilespmem:s11+$0x12030] =	vst v6  }
0x49: {  	v4 =	vadd.f32 v18, v5;
	[tilespmem:s11+$0x12070] =	vst v0  }
0x4a: {  	p0 =	seq.s32 s10, $0xF;
	v2 =	vadd.f32 v12, v3;
	[tilespmem:s11+$0x12060] =	vst v1  }
0x4b: {  	s12 =	sshrl.u32 @!p0 s12, $0x2;
	[tilespmem:s11+$0x12040] =	vst v4  }
0x4c: {  	s14 =	simm.s32 @!p0 $0x32;
	s15 =	simm.s32 @!p0 $0x4000;
	s13 =	sadd.s32 @!p0 $0x400, s12;
	[tilespmem:s11+$0x12050] =	vst v2  }
0x4d: {  	[tilespmem:s15], [sflag:$0x1] =	stream.indirect.gather @!p0 [hbm4b:s1+s14], $0x80, s13, s14, $0xb8;
	[tilespmem:$0x16000] =	vst v63  }
0x4e: {  	_ =	swait.ge [sflag:s25], $0x1900  }
0x4f: {  	[sflag:s25] =	ssyncset.done $0x0  }
0x50: {  	s15 =	simm.s32 $0x0;
	[sflag:s25] =	ssyncadd.s32 $0xFFFFE700  }
0x51: {  	v0 =	vld [tilespmem:s15+$0x5C70]  }
0x52: {  	v2 =	vld [tilespmem:s15+$0x5C00]  }
0x53: {  	v3 =	vld [tilespmem:s15+$0x5C10]  }
0x54: {  	v11 =	vld [tilespmem:s15+$0x5C20]  }
0x55: {  	v10 =	vld [tilespmem:s15+$0x5C30]  }
0x56: {  	v8 =	vimm.f32 $0.0e+00;
	v1 =	vimm.f32 $0.0e+00;
	v7 =	vld [tilespmem:s15+$0x5C40]  }
0x57: {  	v6 =	vimm.f32 $0.0e+00;
	v4 =	vimm.f32 $0.0e+00;
	v9 =	vld [tilespmem:s15+$0x5C50];
	v0 =	vadd.f32 v0, v1  }
0x58: {  	s13 =	simm.s32 $0x80;
	s14 =	simm.s32 $0x400;
	v12 =	vld [tilespmem:s15+$0x5C60];
	v5 =	vadd.f32 v2, v1;
	v3 =	vadd.f32 v3, v1;
	v2 =	vimm.f32 $0.0e+00  }
.LBB2_5:
0x59: {  	p1 =	sne.s32 s14, $0x6200;
	v13 =	vld [tilespmem:s13+$0x5C70];
	v1 =	vadd.f32 v11, v1  }
0x5a: {  	v14 =	vld [tilespmem:s13+$0x5C00];
	v6 =	vadd.f32 v10, v6  }
0x5b: {  	v15 =	vld [tilespmem:s13+$0x5C10];
	v8 =	vadd.f32 v7, v8  }
.Ltmp3:
0x5c: {  	v11 =	vld [tilespmem:s13+$0x5C20];
	v4 =	vadd.f32 v9, v4;
	(pc) =	sbr.rel @p1 .LBB2_5-.Ltmp3, $4  }
0x5d: {  	v10 =	vld [tilespmem:s13+$0x5C30];
	v2 =	vadd.f32 v12, v2  }
0x5e: {  	v7 =	vld [tilespmem:s13+$0x5C40];
	v0 =	vadd.f32 v13, v0  }
0x5f: {  	v5 =	vadd.f32 v14, v5;
	v9 =	vld [tilespmem:s13+$0x5C50]  }
0x60: {  	v3 =	vadd.f32 v15, v3;
	v12 =	vld [tilespmem:s13+$0x5C60];
	s13 =	sshra.s32 s14, $0x2;
	s14 =	sadd.s32 $0x200, s14  }
0x61: {  	v14 =	vld [tilespmem:s13+$0x5C00]  }
0x62: {  	v15 =	vld [tilespmem:s13+$0x5C10]  }
0x63: {  	v16 =	vld [tilespmem:s13+$0x5C20]  }
0x64: {  	v13 =	vld [tilespmem:s13+$0x5C70]  }
0x65: {  	v6 =	vadd.f32 v10, v6;
	v10 =	vld [tilespmem:s13+$0x5C60]  }
0x66: {  	v17 =	vld [tilespmem:s13+$0x5C30];
	v1 =	vadd.f32 v11, v1;
	v5 =	vadd.f32 v14, v5  }
0x67: {  	v18 =	vld [tilespmem:s13+$0x5C40];
	v3 =	vadd.f32 v15, v3  }
0x68: {  	v11 =	vld [tilespmem:s13+$0x5C50];
	v2 =	vadd.f32 v12, v2;
	v1 =	vadd.f32 v16, v1;
	[tilespmem:s11+$0x12080] =	vst v5  }
0x69: {  	v0 =	vadd.f32 v13, v0;
	[tilespmem:s11+$0x12090] =	vst v3  }
0x6a: {  	v7 =	vadd.f32 v7, v8;
	v2 =	vadd.f32 v10, v2;
	[tilespmem:s11+$0x120A0] =	vst v1  }
0x6b: {  	v4 =	vadd.f32 v9, v4;
	v5 =	vadd.f32 v17, v6;
	[tilespmem:s11+$0x120F0] =	vst v0  }
0x6c: {  	v3 =	vadd.f32 v18, v7;
	[tilespmem:s11+$0x120E0] =	vst v2  }
0x6d: {  	v1 =	vadd.f32 v11, v4;
	[tilespmem:s11+$0x120B0] =	vst v5  }
0x6e: {  	[tilespmem:s11+$0x120C0] =	vst v3  }
0x6f: {  	s14 =	simm.s32 @!p0 $0x32;
	s15 =	simm.s32 @!p0 $0x5C00;
	s13 =	sadd.s32 @!p0 $0x480, s12;
	[tilespmem:s11+$0x120D0] =	vst v1  }
0x70: {  	[tilespmem:s15], [sflag:$0x2] =	stream.indirect.gather @!p0 [hbm4b:s1+s14], $0x80, s13, s14, $0xb8;
	[tilespmem:$0x16000] =	vst v63  }
0x71: {  	_ =	swait.ge [sflag:s26], $0x1900  }
0x72: {  	[sflag:s26] =	ssyncset.done $0x0  }
0x73: {  	s15 =	simm.s32 $0x0;
	[sflag:s26] =	ssyncadd.s32 $0xFFFFE700  }
0x74: {  	v0 =	vld [tilespmem:s15+$0x7870]  }
0x75: {  	v2 =	vld [tilespmem:s15+$0x7800]  }
0x76: {  	v3 =	vld [tilespmem:s15+$0x7810]  }
0x77: {  	v11 =	vld [tilespmem:s15+$0x7820]  }
0x78: {  	v10 =	vld [tilespmem:s15+$0x7830]  }
0x79: {  	v8 =	vimm.f32 $0.0e+00;
	v1 =	vimm.f32 $0.0e+00;
	v7 =	vld [tilespmem:s15+$0x7840]  }
0x7a: {  	v6 =	vimm.f32 $0.0e+00;
	v4 =	vimm.f32 $0.0e+00;
	v9 =	vld [tilespmem:s15+$0x7850];
	v0 =	vadd.f32 v0, v1  }
0x7b: {  	s13 =	simm.s32 $0x80;
	s14 =	simm.s32 $0x400;
	v12 =	vld [tilespmem:s15+$0x7860];
	v5 =	vadd.f32 v2, v1;
	v3 =	vadd.f32 v3, v1;
	v2 =	vimm.f32 $0.0e+00  }
.LBB2_7:
0x7c: {  	p1 =	sne.s32 s14, $0x6200;
	v13 =	vld [tilespmem:s13+$0x7870];
	v1 =	vadd.f32 v11, v1  }
0x7d: {  	v14 =	vld [tilespmem:s13+$0x7800];
	v6 =	vadd.f32 v10, v6  }
0x7e: {  	v15 =	vld [tilespmem:s13+$0x7810];
	v8 =	vadd.f32 v7, v8  }
.Ltmp4:
0x7f: {  	v11 =	vld [tilespmem:s13+$0x7820];
	v4 =	vadd.f32 v9, v4;
	(pc) =	sbr.rel @p1 .LBB2_7-.Ltmp4, $4  }
0x80: {  	v10 =	vld [tilespmem:s13+$0x7830];
	v2 =	vadd.f32 v12, v2  }
0x81: {  	v7 =	vld [tilespmem:s13+$0x7840];
	v0 =	vadd.f32 v13, v0  }
0x82: {  	v5 =	vadd.f32 v14, v5;
	v9 =	vld [tilespmem:s13+$0x7850]  }
0x83: {  	v3 =	vadd.f32 v15, v3;
	v12 =	vld [tilespmem:s13+$0x7860];
	s13 =	sshra.s32 s14, $0x2;
	s14 =	sadd.s32 $0x200, s14  }
0x84: {  	v14 =	vld [tilespmem:s13+$0x7800]  }
0x85: {  	v15 =	vld [tilespmem:s13+$0x7810]  }
0x86: {  	v16 =	vld [tilespmem:s13+$0x7820]  }
0x87: {  	v13 =	vld [tilespmem:s13+$0x7870]  }
0x88: {  	v6 =	vadd.f32 v10, v6;
	v10 =	vld [tilespmem:s13+$0x7860]  }
0x89: {  	v17 =	vld [tilespmem:s13+$0x7830];
	v1 =	vadd.f32 v11, v1;
	v5 =	vadd.f32 v14, v5  }
0x8a: {  	v18 =	vld [tilespmem:s13+$0x7840];
	v3 =	vadd.f32 v15, v3  }
0x8b: {  	v11 =	vld [tilespmem:s13+$0x7850];
	v2 =	vadd.f32 v12, v2;
	v1 =	vadd.f32 v16, v1;
	[tilespmem:s11+$0x12100] =	vst v5  }
0x8c: {  	v0 =	vadd.f32 v13, v0;
	[tilespmem:s11+$0x12110] =	vst v3  }
0x8d: {  	v7 =	vadd.f32 v7, v8;
	v2 =	vadd.f32 v10, v2;
	[tilespmem:s11+$0x12120] =	vst v1  }
0x8e: {  	v4 =	vadd.f32 v9, v4;
	v5 =	vadd.f32 v17, v6;
	[tilespmem:s11+$0x12170] =	vst v0  }
0x8f: {  	v3 =	vadd.f32 v18, v7;
	[tilespmem:s11+$0x12160] =	vst v2  }
0x90: {  	v1 =	vadd.f32 v11, v4;
	[tilespmem:s11+$0x12130] =	vst v5  }
0x91: {  	[tilespmem:s11+$0x12140] =	vst v3  }
0x92: {  	s14 =	simm.s32 @!p0 $0x32;
	s15 =	simm.s32 @!p0 $0x7800;
	s13 =	sadd.s32 @!p0 $0x500, s12;
	[tilespmem:s11+$0x12150] =	vst v1  }
0x93: {  	[tilespmem:s15], [sflag:$0x3] =	stream.indirect.gather @!p0 [hbm4b:s1+s14], $0x80, s13, s14, $0xb8;
	[tilespmem:$0x16000] =	vst v63  }
0x94: {  	_ =	swait.ge [sflag:s28], $0x1900  }
0x95: {  	[sflag:s28] =	ssyncset.done $0x0  }
0x96: {  	s15 =	simm.s32 $0x0;
	[sflag:s28] =	ssyncadd.s32 $0xFFFFE700  }
0x97: {  	v0 =	vld [tilespmem:s15+$0x9470]  }
0x98: {  	v2 =	vld [tilespmem:s15+$0x9400]  }
0x99: {  	v3 =	vld [tilespmem:s15+$0x9410]  }
0x9a: {  	v11 =	vld [tilespmem:s15+$0x9420]  }
0x9b: {  	v10 =	vld [tilespmem:s15+$0x9430]  }
0x9c: {  	v8 =	vimm.f32 $0.0e+00;
	v1 =	vimm.f32 $0.0e+00;
	v7 =	vld [tilespmem:s15+$0x9440]  }
0x9d: {  	v6 =	vimm.f32 $0.0e+00;
	v4 =	vimm.f32 $0.0e+00;
	v9 =	vld [tilespmem:s15+$0x9450];
	v0 =	vadd.f32 v0, v1  }
0x9e: {  	s13 =	simm.s32 $0x80;
	s14 =	simm.s32 $0x400;
	v12 =	vld [tilespmem:s15+$0x9460];
	v5 =	vadd.f32 v2, v1;
	v3 =	vadd.f32 v3, v1;
	v2 =	vimm.f32 $0.0e+00  }
.LBB2_9:
0x9f: {  	p1 =	sne.s32 s14, $0x6200;
	v13 =	vld [tilespmem:s13+$0x9470];
	v1 =	vadd.f32 v11, v1  }
0xa0: {  	v14 =	vld [tilespmem:s13+$0x9400];
	v6 =	vadd.f32 v10, v6  }
0xa1: {  	v15 =	vld [tilespmem:s13+$0x9410];
	v8 =	vadd.f32 v7, v8  }
.Ltmp5:
0xa2: {  	v11 =	vld [tilespmem:s13+$0x9420];
	v4 =	vadd.f32 v9, v4;
	(pc) =	sbr.rel @p1 .LBB2_9-.Ltmp5, $4  }
0xa3: {  	v10 =	vld [tilespmem:s13+$0x9430];
	v2 =	vadd.f32 v12, v2  }
0xa4: {  	v7 =	vld [tilespmem:s13+$0x9440];
	v0 =	vadd.f32 v13, v0  }
0xa5: {  	v5 =	vadd.f32 v14, v5;
	v9 =	vld [tilespmem:s13+$0x9450]  }
0xa6: {  	v3 =	vadd.f32 v15, v3;
	v12 =	vld [tilespmem:s13+$0x9460];
	s13 =	sshra.s32 s14, $0x2;
	s14 =	sadd.s32 $0x200, s14  }
0xa7: {  	v14 =	vld [tilespmem:s13+$0x9400]  }
0xa8: {  	v15 =	vld [tilespmem:s13+$0x9410]  }
0xa9: {  	v16 =	vld [tilespmem:s13+$0x9420]  }
0xaa: {  	v13 =	vld [tilespmem:s13+$0x9470]  }
0xab: {  	v6 =	vadd.f32 v10, v6;
	v10 =	vld [tilespmem:s13+$0x9460]  }
0xac: {  	v17 =	vld [tilespmem:s13+$0x9430];
	v1 =	vadd.f32 v11, v1;
	v5 =	vadd.f32 v14, v5  }
0xad: {  	v18 =	vld [tilespmem:s13+$0x9440];
	v3 =	vadd.f32 v15, v3  }
0xae: {  	v11 =	vld [tilespmem:s13+$0x9450];
	v2 =	vadd.f32 v12, v2;
	v1 =	vadd.f32 v16, v1;
	[tilespmem:s11+$0x12180] =	vst v5  }
0xaf: {  	v0 =	vadd.f32 v13, v0;
	[tilespmem:s11+$0x12190] =	vst v3  }
0xb0: {  	v7 =	vadd.f32 v7, v8;
	v2 =	vadd.f32 v10, v2;
	[tilespmem:s11+$0x121A0] =	vst v1  }
0xb1: {  	v4 =	vadd.f32 v9, v4;
	v5 =	vadd.f32 v17, v6;
	[tilespmem:s11+$0x121F0] =	vst v0  }
0xb2: {  	v3 =	vadd.f32 v18, v7;
	[tilespmem:s11+$0x121E0] =	vst v2  }
0xb3: {  	v1 =	vadd.f32 v11, v4;
	[tilespmem:s11+$0x121B0] =	vst v5  }
0xb4: {  	[tilespmem:s11+$0x121C0] =	vst v3  }
0xb5: {  	s14 =	simm.s32 @!p0 $0x32;
	s15 =	simm.s32 @!p0 $0x9400;
	s13 =	sadd.s32 @!p0 $0x580, s12;
	[tilespmem:s11+$0x121D0] =	vst v1  }
0xb6: {  	[tilespmem:s15], [sflag:$0x4] =	stream.indirect.gather @!p0 [hbm4b:s1+s14], $0x80, s13, s14, $0xb8;
	[tilespmem:$0x16000] =	vst v63  }
0xb7: {  	_ =	swait.ge [sflag:s29], $0x1900  }
0xb8: {  	[sflag:s29] =	ssyncset.done $0x0  }
0xb9: {  	s15 =	simm.s32 $0x0;
	[sflag:s29] =	ssyncadd.s32 $0xFFFFE700  }
0xba: {  	v0 =	vld [tilespmem:s15+$0xB070]  }
0xbb: {  	v2 =	vld [tilespmem:s15+$0xB000]  }
0xbc: {  	v3 =	vld [tilespmem:s15+$0xB010]  }
0xbd: {  	v11 =	vld [tilespmem:s15+$0xB020]  }
0xbe: {  	v10 =	vld [tilespmem:s15+$0xB030]  }
0xbf: {  	v8 =	vimm.f32 $0.0e+00;
	v1 =	vimm.f32 $0.0e+00;
	v7 =	vld [tilespmem:s15+$0xB040]  }
0xc0: {  	v6 =	vimm.f32 $0.0e+00;
	v4 =	vimm.f32 $0.0e+00;
	v9 =	vld [tilespmem:s15+$0xB050];
	v0 =	vadd.f32 v0, v1  }
0xc1: {  	s13 =	simm.s32 $0x80;
	s14 =	simm.s32 $0x400;
	v12 =	vld [tilespmem:s15+$0xB060];
	v5 =	vadd.f32 v2, v1;
	v3 =	vadd.f32 v3, v1;
	v2 =	vimm.f32 $0.0e+00  }
.LBB2_11:
0xc2: {  	p1 =	sne.s32 s14, $0x6200;
	v13 =	vld [tilespmem:s13+$0xB070];
	v1 =	vadd.f32 v11, v1  }
0xc3: {  	v14 =	vld [tilespmem:s13+$0xB000];
	v6 =	vadd.f32 v10, v6  }
0xc4: {  	v15 =	vld [tilespmem:s13+$0xB010];
	v8 =	vadd.f32 v7, v8  }
.Ltmp6:
0xc5: {  	v11 =	vld [tilespmem:s13+$0xB020];
	v4 =	vadd.f32 v9, v4;
	(pc) =	sbr.rel @p1 .LBB2_11-.Ltmp6, $4  }
0xc6: {  	v10 =	vld [tilespmem:s13+$0xB030];
	v2 =	vadd.f32 v12, v2  }
0xc7: {  	v7 =	vld [tilespmem:s13+$0xB040];
	v0 =	vadd.f32 v13, v0  }
0xc8: {  	v5 =	vadd.f32 v14, v5;
	v9 =	vld [tilespmem:s13+$0xB050]  }
0xc9: {  	v3 =	vadd.f32 v15, v3;
	v12 =	vld [tilespmem:s13+$0xB060];
	s13 =	sshra.s32 s14, $0x2;
	s14 =	sadd.s32 $0x200, s14  }
0xca: {  	v14 =	vld [tilespmem:s13+$0xB000]  }
0xcb: {  	v15 =	vld [tilespmem:s13+$0xB010]  }
0xcc: {  	v16 =	vld [tilespmem:s13+$0xB020]  }
0xcd: {  	v13 =	vld [tilespmem:s13+$0xB070]  }
0xce: {  	v6 =	vadd.f32 v10, v6;
	v10 =	vld [tilespmem:s13+$0xB060]  }
0xcf: {  	v17 =	vld [tilespmem:s13+$0xB030];
	v1 =	vadd.f32 v11, v1;
	v5 =	vadd.f32 v14, v5  }
0xd0: {  	v18 =	vld [tilespmem:s13+$0xB040];
	v3 =	vadd.f32 v15, v3  }
0xd1: {  	v11 =	vld [tilespmem:s13+$0xB050];
	v2 =	vadd.f32 v12, v2;
	v1 =	vadd.f32 v16, v1;
	[tilespmem:s11+$0x12200] =	vst v5  }
0xd2: {  	v0 =	vadd.f32 v13, v0;
	[tilespmem:s11+$0x12210] =	vst v3  }
0xd3: {  	v7 =	vadd.f32 v7, v8;
	v2 =	vadd.f32 v10, v2;
	[tilespmem:s11+$0x12220] =	vst v1  }
0xd4: {  	v4 =	vadd.f32 v9, v4;
	v5 =	vadd.f32 v17, v6;
	[tilespmem:s11+$0x12270] =	vst v0  }
0xd5: {  	v3 =	vadd.f32 v18, v7;
	[tilespmem:s11+$0x12260] =	vst v2  }
0xd6: {  	v1 =	vadd.f32 v11, v4;
	[tilespmem:s11+$0x12230] =	vst v5  }
0xd7: {  	[tilespmem:s11+$0x12240] =	vst v3  }
0xd8: {  	s14 =	simm.s32 @!p0 $0x32;
	s15 =	simm.s32 @!p0 $0xB000;
	s13 =	sadd.s32 @!p0 $0x600, s12;
	[tilespmem:s11+$0x12250] =	vst v1  }
0xd9: {  	[tilespmem:s15], [sflag:$0x5] =	stream.indirect.gather @!p0 [hbm4b:s1+s14], $0x80, s13, s14, $0xb8;
	[tilespmem:$0x16000] =	vst v63  }
0xda: {  	_ =	swait.ge [sflag:s30], $0x1900  }
0xdb: {  	[sflag:s30] =	ssyncset.done $0x0  }
0xdc: {  	s15 =	simm.s32 $0x0;
	[sflag:s30] =	ssyncadd.s32 $0xFFFFE700  }
0xdd: {  	v0 =	vld [tilespmem:s15+$0xCC70]  }
0xde: {  	v2 =	vld [tilespmem:s15+$0xCC00]  }
0xdf: {  	v3 =	vld [tilespmem:s15+$0xCC10]  }
0xe0: {  	v11 =	vld [tilespmem:s15+$0xCC20]  }
0xe1: {  	v10 =	vld [tilespmem:s15+$0xCC30]  }
0xe2: {  	v8 =	vimm.f32 $0.0e+00;
	v1 =	vimm.f32 $0.0e+00;
	v7 =	vld [tilespmem:s15+$0xCC40]  }
0xe3: {  	v6 =	vimm.f32 $0.0e+00;
	v4 =	vimm.f32 $0.0e+00;
	v9 =	vld [tilespmem:s15+$0xCC50];
	v0 =	vadd.f32 v0, v1  }
0xe4: {  	s13 =	simm.s32 $0x80;
	s14 =	simm.s32 $0x400;
	v12 =	vld [tilespmem:s15+$0xCC60];
	v5 =	vadd.f32 v2, v1;
	v3 =	vadd.f32 v3, v1;
	v2 =	vimm.f32 $0.0e+00  }
.LBB2_13:
0xe5: {  	p1 =	sne.s32 s14, $0x6200;
	v13 =	vld [tilespmem:s13+$0xCC70];
	v1 =	vadd.f32 v11, v1  }
0xe6: {  	v14 =	vld [tilespmem:s13+$0xCC00];
	v6 =	vadd.f32 v10, v6  }
0xe7: {  	v15 =	vld [tilespmem:s13+$0xCC10];
	v8 =	vadd.f32 v7, v8  }
.Ltmp7:
0xe8: {  	v11 =	vld [tilespmem:s13+$0xCC20];
	v4 =	vadd.f32 v9, v4;
	(pc) =	sbr.rel @p1 .LBB2_13-.Ltmp7, $4  }
0xe9: {  	v10 =	vld [tilespmem:s13+$0xCC30];
	v2 =	vadd.f32 v12, v2  }
0xea: {  	v7 =	vld [tilespmem:s13+$0xCC40];
	v0 =	vadd.f32 v13, v0  }
0xeb: {  	v5 =	vadd.f32 v14, v5;
	v9 =	vld [tilespmem:s13+$0xCC50]  }
0xec: {  	v3 =	vadd.f32 v15, v3;
	v12 =	vld [tilespmem:s13+$0xCC60];
	s13 =	sshra.s32 s14, $0x2;
	s14 =	sadd.s32 $0x200, s14  }
0xed: {  	v14 =	vld [tilespmem:s13+$0xCC00]  }
0xee: {  	v15 =	vld [tilespmem:s13+$0xCC10]  }
0xef: {  	v16 =	vld [tilespmem:s13+$0xCC20]  }
0xf0: {  	v13 =	vld [tilespmem:s13+$0xCC70]  }
0xf1: {  	v6 =	vadd.f32 v10, v6;
	v10 =	vld [tilespmem:s13+$0xCC60]  }
0xf2: {  	v17 =	vld [tilespmem:s13+$0xCC30];
	v1 =	vadd.f32 v11, v1;
	v5 =	vadd.f32 v14, v5  }
0xf3: {  	v18 =	vld [tilespmem:s13+$0xCC40];
	v3 =	vadd.f32 v15, v3  }
0xf4: {  	v11 =	vld [tilespmem:s13+$0xCC50];
	v2 =	vadd.f32 v12, v2;
	v1 =	vadd.f32 v16, v1;
	[tilespmem:s11+$0x12280] =	vst v5  }
0xf5: {  	v0 =	vadd.f32 v13, v0;
	[tilespmem:s11+$0x12290] =	vst v3  }
0xf6: {  	v7 =	vadd.f32 v7, v8;
	v2 =	vadd.f32 v10, v2;
	[tilespmem:s11+$0x122A0] =	vst v1  }
0xf7: {  	v4 =	vadd.f32 v9, v4;
	v5 =	vadd.f32 v17, v6;
	[tilespmem:s11+$0x122F0] =	vst v0  }
0xf8: {  	v3 =	vadd.f32 v18, v7;
	[tilespmem:s11+$0x122E0] =	vst v2  }
0xf9: {  	v1 =	vadd.f32 v11, v4;
	[tilespmem:s11+$0x122B0] =	vst v5  }
0xfa: {  	[tilespmem:s11+$0x122C0] =	vst v3  }
0xfb: {  	s14 =	simm.s32 @!p0 $0x32;
	s15 =	simm.s32 @!p0 $0xCC00;
	s13 =	sadd.s32 @!p0 $0x680, s12;
	[tilespmem:s11+$0x122D0] =	vst v1  }
0xfc: {  	[tilespmem:s15], [sflag:$0x6] =	stream.indirect.gather @!p0 [hbm4b:s1+s14], $0x80, s13, s14, $0xb8;
	[tilespmem:$0x16000] =	vst v63  }
0xfd: {  	_ =	swait.ge [sflag:s31], $0x1900  }
0xfe: {  	[sflag:s31] =	ssyncset.done $0x0  }
0xff: {  	s15 =	simm.s32 $0x0;
	[sflag:s31] =	ssyncadd.s32 $0xFFFFE700  }
0x100: {  	v0 =	vld [tilespmem:s15+$0xE870]  }
0x101: {  	v2 =	vld [tilespmem:s15+$0xE800]  }
0x102: {  	v3 =	vld [tilespmem:s15+$0xE810]  }
0x103: {  	v11 =	vld [tilespmem:s15+$0xE820]  }
0x104: {  	v10 =	vld [tilespmem:s15+$0xE830]  }
0x105: {  	v8 =	vimm.f32 $0.0e+00;
	v1 =	vimm.f32 $0.0e+00;
	v7 =	vld [tilespmem:s15+$0xE840]  }
0x106: {  	v6 =	vimm.f32 $0.0e+00;
	v4 =	vimm.f32 $0.0e+00;
	v9 =	vld [tilespmem:s15+$0xE850];
	v0 =	vadd.f32 v0, v1  }
0x107: {  	s13 =	simm.s32 $0x80;
	s14 =	simm.s32 $0x400;
	v12 =	vld [tilespmem:s15+$0xE860];
	v5 =	vadd.f32 v2, v1;
	v3 =	vadd.f32 v3, v1;
	v2 =	vimm.f32 $0.0e+00  }
.LBB2_15:
0x108: {  	p1 =	sne.s32 s14, $0x6200;
	v13 =	vld [tilespmem:s13+$0xE870];
	v1 =	vadd.f32 v11, v1  }
0x109: {  	v14 =	vld [tilespmem:s13+$0xE800];
	v6 =	vadd.f32 v10, v6  }
0x10a: {  	v15 =	vld [tilespmem:s13+$0xE810];
	v8 =	vadd.f32 v7, v8  }
.Ltmp8:
0x10b: {  	v11 =	vld [tilespmem:s13+$0xE820];
	v4 =	vadd.f32 v9, v4;
	(pc) =	sbr.rel @p1 .LBB2_15-.Ltmp8, $4  }
0x10c: {  	v10 =	vld [tilespmem:s13+$0xE830];
	v2 =	vadd.f32 v12, v2  }
0x10d: {  	v7 =	vld [tilespmem:s13+$0xE840];
	v0 =	vadd.f32 v13, v0  }
0x10e: {  	v5 =	vadd.f32 v14, v5;
	v9 =	vld [tilespmem:s13+$0xE850]  }
0x10f: {  	v3 =	vadd.f32 v15, v3;
	v12 =	vld [tilespmem:s13+$0xE860];
	s13 =	sshra.s32 s14, $0x2;
	s14 =	sadd.s32 $0x200, s14  }
0x110: {  	v14 =	vld [tilespmem:s13+$0xE800]  }
0x111: {  	v15 =	vld [tilespmem:s13+$0xE810]  }
0x112: {  	v16 =	vld [tilespmem:s13+$0xE820]  }
0x113: {  	v13 =	vld [tilespmem:s13+$0xE870]  }
0x114: {  	v6 =	vadd.f32 v10, v6;
	v10 =	vld [tilespmem:s13+$0xE860]  }
0x115: {  	v17 =	vld [tilespmem:s13+$0xE830];
	v1 =	vadd.f32 v11, v1;
	v5 =	vadd.f32 v14, v5  }
0x116: {  	v18 =	vld [tilespmem:s13+$0xE840];
	v3 =	vadd.f32 v15, v3  }
0x117: {  	v11 =	vld [tilespmem:s13+$0xE850];
	v2 =	vadd.f32 v12, v2;
	v1 =	vadd.f32 v16, v1;
	[tilespmem:s11+$0x12300] =	vst v5  }
0x118: {  	v0 =	vadd.f32 v13, v0;
	[tilespmem:s11+$0x12310] =	vst v3  }
0x119: {  	v7 =	vadd.f32 v7, v8;
	v2 =	vadd.f32 v10, v2;
	[tilespmem:s11+$0x12320] =	vst v1  }
0x11a: {  	v4 =	vadd.f32 v9, v4;
	v5 =	vadd.f32 v17, v6;
	[tilespmem:s11+$0x12370] =	vst v0  }
0x11b: {  	v3 =	vadd.f32 v18, v7;
	[tilespmem:s11+$0x12360] =	vst v2  }
0x11c: {  	v1 =	vadd.f32 v11, v4;
	[tilespmem:s11+$0x12330] =	vst v5  }
0x11d: {  	[tilespmem:s11+$0x12340] =	vst v3  }
0x11e: {  	s12 =	sadd.s32 @!p0 $0x700, s12;
	s14 =	simm.s32 @!p0 $0xE800;
	s13 =	simm.s32 @!p0 $0x32;
	[tilespmem:s11+$0x12350] =	vst v1  }
0x11f: {  	[tilespmem:s14], [sflag:$0x7] =	stream.indirect.gather @!p0 [hbm4b:s1+s13], $0x80, s12, s13, $0xb8;
	[tilespmem:$0x16000] =	vst v63  }
0x120: {  	_ =	swait.ge [sflag:s0], $0x1900  }
0x121: {  	[sflag:s0] =	ssyncset.done $0x0  }
0x122: {  	s15 =	simm.s32 $0x0;
	[sflag:s0] =	ssyncadd.s32 $0xFFFFE700  }
0x123: {  	v0 =	vld [tilespmem:s15+$0x10470]  }
0x124: {  	v2 =	vld [tilespmem:s15+$0x10400]  }
0x125: {  	v3 =	vld [tilespmem:s15+$0x10410]  }
0x126: {  	v11 =	vld [tilespmem:s15+$0x10420]  }
0x127: {  	v10 =	vld [tilespmem:s15+$0x10430]  }
0x128: {  	v8 =	vimm.f32 $0.0e+00;
	v1 =	vimm.f32 $0.0e+00;
	v7 =	vld [tilespmem:s15+$0x10440]  }
0x129: {  	v6 =	vimm.f32 $0.0e+00;
	v4 =	vimm.f32 $0.0e+00;
	v9 =	vld [tilespmem:s15+$0x10450];
	v0 =	vadd.f32 v0, v1  }
0x12a: {  	s12 =	simm.s32 $0x80;
	s13 =	simm.s32 $0x400;
	v12 =	vld [tilespmem:s15+$0x10460];
	v5 =	vadd.f32 v2, v1;
	v3 =	vadd.f32 v3, v1;
	v2 =	vimm.f32 $0.0e+00  }
.LBB2_17:
0x12b: {  	p1 =	sne.s32 s13, $0x6200;
	v13 =	vld [tilespmem:s12+$0x10470];
	v1 =	vadd.f32 v11, v1  }
0x12c: {  	v14 =	vld [tilespmem:s12+$0x10400];
	v6 =	vadd.f32 v10, v6  }
0x12d: {  	v15 =	vld [tilespmem:s12+$0x10410];
	v8 =	vadd.f32 v7, v8  }
.Ltmp9:
0x12e: {  	v11 =	vld [tilespmem:s12+$0x10420];
	v4 =	vadd.f32 v9, v4;
	(pc) =	sbr.rel @p1 .LBB2_17-.Ltmp9, $4  }
0x12f: {  	v10 =	vld [tilespmem:s12+$0x10430];
	v2 =	vadd.f32 v12, v2  }
0x130: {  	v7 =	vld [tilespmem:s12+$0x10440];
	v0 =	vadd.f32 v13, v0  }
0x131: {  	v5 =	vadd.f32 v14, v5;
	v9 =	vld [tilespmem:s12+$0x10450]  }
0x132: {  	v3 =	vadd.f32 v15, v3;
	v12 =	vld [tilespmem:s12+$0x10460];
	s12 =	sshra.s32 s13, $0x2;
	s13 =	sadd.s32 $0x200, s13  }
0x133: {  	v14 =	vld [tilespmem:s12+$0x10400]  }
0x134: {  	v15 =	vld [tilespmem:s12+$0x10410]  }
0x135: {  	v16 =	vld [tilespmem:s12+$0x10420]  }
0x136: {  	v17 =	vld [tilespmem:s12+$0x10430]  }
0x137: {  	v18 =	vld [tilespmem:s12+$0x10440]  }
0x138: {  	v1 =	vadd.f32 v11, v1;
	v59 =	vld [tilespmem:s12+$0x10450];
	v5 =	vadd.f32 v14, v5  }
0x139: {  	v13 =	vld [tilespmem:s12+$0x10470];
	v6 =	vadd.f32 v10, v6;
	v3 =	vadd.f32 v15, v3  }
0x13a: {  	v60 =	vld [tilespmem:s12+$0x10460];
	v7 =	vadd.f32 v7, v8;
	v1 =	vadd.f32 v16, v1;
	[tilespmem:s11+$0x12380] =	vst v5  }
0x13b: {  	v4 =	vadd.f32 v9, v4;
	v61 =	vadd.f32 v17, v6;
	[tilespmem:s11+$0x12390] =	vst v3  }
0x13c: {  	v62 =	vadd.f32 v18, v7;
	[tilespmem:s11+$0x123A0] =	vst v1  }
.Ltmp10:
0x13d: {  	v2 =	vadd.f32 v12, v2;
	v63 =	vadd.f32 v59, v4;
	[tilespmem:s11+$0x123B0] =	vst v61;
	(pc) =	sbr.rel @p0 .LBB2_20-.Ltmp10, $4  }
0x13e: {  	v0 =	vadd.f32 v13, v0;
	[tilespmem:s11+$0x123C0] =	vst v62  }
0x13f: {  	v2 =	vadd.f32 v60, v2;
	[tilespmem:s11+$0x123D0] =	vst v63  }
0x140: {  	[tilespmem:s11+$0x123F0] =	vst v0  }
0x141: {  	[tilespmem:s11+$0x123E0] =	vst v2  }
.Ltmp11:
0x142: {  	(pc) =	sbr.rel .LBB2_2-.Ltmp11, $3  }
0x143: {  	_ =	sdelay $0x1  }
0x144: {  	s11 =	sadd.s32 $0x780, s11;
	s10 =	sadd.s32 $0x1, s10  }
0x145: {  	[tilespmem:s23], [sflag:$0x8] =	stream.indirect.gather [hbm4b:s1+s8], $0x80, s11, s8, $0xb8;
	[tilespmem:$0x16000] =	vst v63  }
.LBB2_21:
0x146: {  	_ =	sfence.sel $0x180000  }
0x147: {  	[bflag:$0x0] =	sbarrier.arrive $0xFFFF  }
0x148: {  	_ =	strace $0x90000047  }
0x149: {  	s0 =	stileid.u32;
	[bflag:$0x2] =	sbarrier.arrive $0xFFFF  }
0x14a: {  	p0 =	sne.s32 s0, $0x0;
	s0 =	rddreg [dreg:$0x3]  }
0x14b: {  	s0 =	sadd.s32 @!p0 $0x100000, s0  }
0x14c: {  	[sflag:s0] =	ssyncadd.tile.s32 @!p0 $0x1;
	_ =	shalt  }
.Lfunc_end2:
_tile_overlayer_lowered:
.L_overlay_start_2:
0x14d: {  	(tag) =	ssettag $0x2  }
0x14e: {  	s0 =	rddreg [dreg:$0x0];
	s2 =	stileid.u32  }
0x14f: {  	s1 =	rddreg [dreg:$0x1];
	p0 =	sne.s32 s2, $0x0  }
0x150: {  	s3 =	rddreg [dreg:$0x2];
	[bflag:$0x3] =	sbarrier.arrive $0xFFFF;
	s2 =	simm.s32 @!p0 $0x1C09  }
0x151: {  	[timem:s3], [sflag:s2] =	dma.local @!p0 [hbm:s0], s1  }
0x152: {  	s0 =	simm.s32 @!p0 $0x9  }
0x153: {  	_ =	swait.ge @!p0 [sflag:s0], s1  }
0x154: {  	s1 =	ssub.s32 @!p0 $0x0, s1;
	[sflag:s0] =	ssyncset.done @!p0 $0x0  }
0x155: {  	[sflag:s0] =	ssyncadd.s32 @!p0 s1  }
0x156: {  	[bflag:$0x3] =	sbarrier.arrive $0xFFFF  }
0x157: {  	_ =	shalt  }

</sc_bundles>
